<compile_context>
chip_gen: v7x
topology: tpu7x:2x2x1
jax: 0.10.2.dev20260603
libtpu: 0.0.44.dev20260713+nightly
codegen_flags: <defaults>
</compile_context>

<pallas_src>
import functools

import jax
import jax.numpy as jnp
from jax import lax
from jax.experimental import pallas as pl
from jax.experimental.pallas import tpu as pltpu
from jax.experimental.pallas import tpu_sc as plsc

_L = 16
_CHUNK = 512


def _sc_body(nc, ns, bpw, n_rows, r_rules,
             x_hbm, mat_hbm, rp_hbm, wb_hbm, out_hbm, slk_hbm,
             xv, matv2, pfidx, pv, resv, wbv, riota, slkv, sem, sem_p):
    wid = lax.axis_index("s") * nc + lax.axis_index("c")
    base = wid * bpw
    n_groups = bpw // _L
    n_chunks_m = bpw // _CHUNK
    n_chunks = (bpw * r_rules) // _CHUNK
    gpc = _CHUNK // _L
    chunks_per_rule = n_chunks // r_rules

    lanes = lax.iota(jnp.int32, _L)

    pltpu.sync_copy(x_hbm.at[pl.ds(base, bpw)], xv)
    pltpu.sync_copy(wb_hbm, wbv)

    def fill_r(r9, _):
        off = pl.multiple_of(r9 * _L, _L)
        riota[pl.ds(off, _L)] = jnp.zeros((_L,), jnp.int32) + r9
        return 0

    lax.fori_loop(0, r_rules, fill_r, 0)

    m_descs = [
        pltpu.async_copy(
            mat_hbm.at[xv.at[pl.ds(mm * _CHUNK, _CHUNK)]],
            matv2.at[pl.ds(mm * _CHUNK, _CHUNK), :],
            sem,
        )
        for mm in range(n_chunks_m)
    ]

    def build_pfidx(k, _):
        r = k // n_groups
        j = k - r * n_groups
        rows = j * _L + lanes
        cols = riota[pl.ds(pl.multiple_of(r * _L, _L), _L)]
        m = plsc.load_gather(matv2, [rows, cols])
        pidx = jnp.where(m == m, m, 0.0).astype(jnp.int32)
        row = k // gpc
        col = pl.multiple_of((k - row * gpc) * _L, _L)
        pfidx[row, pl.ds(col, _L)] = pidx
        return 0

    p_descs = []
    for mm in range(n_chunks_m):
        m_descs[mm].wait()
        for r in range(r_rules):
            cc = r * chunks_per_rule + mm
            lax.fori_loop(cc * gpc, (cc + 1) * gpc, build_pfidx, 0)
            p_descs.append(pltpu.async_copy(
                rp_hbm.at[r].at[pfidx.at[cc]],
                pv.at[pl.ds(cc * _CHUNK, _CHUNK)],
                sem_p,
            ))
    for d in p_descs:
        d.wait()

    wv_all = wbv[...]

    def bcast(i):
        s = jnp.sum(jnp.where(lanes == i, wv_all, 0.0))
        return jnp.zeros((_L,), jnp.float32) + s

    w_vecs = [bcast(r) for r in range(r_rules)]
    beta_vec = bcast(r_rules)

    def compute(j, _):
        acc = 1.0 - beta_vec
        rows = j * _L + lanes
        for r in range(r_rules):
            cols = riota[pl.ds(pl.multiple_of(r * _L, _L), _L)]
            m = plsc.load_gather(matv2, [rows, cols])
            off = pl.multiple_of((r * n_groups + j) * _L, _L)
            z = pv[pl.ds(off, _L)]
            act = jnp.where(m == m, 1.0 / (1.0 + jnp.exp(-z)), 0.0)
            acc = acc + w_vecs[r] * act
        off = pl.multiple_of(j * _L, _L)
        resv[pl.ds(off, _L)] = jnp.minimum(jnp.maximum(acc, 0.0), 1.0)
        return 0

    lax.fori_loop(0, n_groups, compute, 0)

    pltpu.sync_copy(resv, out_hbm.at[pl.ds(base, bpw)])

    @pl.when(wid == 0)
    def _():
        is_w = lanes < r_rules
        s1 = jnp.sum(jnp.where(is_w, jnp.maximum(wv_all - 1.0, 0.0), 0.0))
        sum_w = jnp.sum(jnp.where(is_w, wv_all, 0.0))
        beta_s = jnp.sum(jnp.where(lanes == r_rules, wv_all, 0.0))
        slack = s1 + jnp.maximum(beta_s - sum_w, 0.0)
        slkv[...] = jnp.zeros((_L,), jnp.float32) + slack
        pltpu.sync_copy(slkv, slk_hbm)


@functools.partial(jax.jit, static_argnums=(4, 5, 6))
def _sc_call(x, mat, rp, wb, b, n_rows, r_rules):
    info = plsc.get_sparse_core_info()
    nc, ns = info.num_cores, info.num_subcores
    nw = nc * ns
    assert b % (nw * _CHUNK) == 0
    bpw = b // nw

    body = functools.partial(_sc_body, nc, ns, bpw, n_rows, r_rules)
    return pl.kernel(
        body,
        out_type=[
            jax.ShapeDtypeStruct((b,), jnp.float32),
            jax.ShapeDtypeStruct((_L,), jnp.float32),
        ],
        mesh=plsc.VectorSubcoreMesh(core_axis_name="c", subcore_axis_name="s"),
        compiler_params=pltpu.CompilerParams(
            needs_layout_passes=False, use_tc_tiling_on_sc=False,
            disable_bounds_checks=True),
        scratch_types=[
            pltpu.VMEM((bpw,), jnp.int32),
            pltpu.VMEM((bpw, r_rules), jnp.float32),
            pltpu.VMEM((bpw * r_rules // _CHUNK, _CHUNK), jnp.int32),
            pltpu.VMEM((bpw * r_rules,), jnp.float32),
            pltpu.VMEM((bpw,), jnp.float32),
            pltpu.VMEM((_L,), jnp.float32),
            pltpu.VMEM((r_rules * _L,), jnp.int32),
            pltpu.VMEM((_L,), jnp.float32),
            pltpu.SemaphoreType.DMA,
            pltpu.SemaphoreType.DMA,
        ],
    )(x, mat, rp, wb)


def kernel(x, mat, rule_params, w, beta):
    b = x.shape[0]
    r_rules = mat.shape[1]
    n_rows = rule_params.shape[1]
    x = x.astype(jnp.int32)
    wb = jnp.concatenate([
        w.astype(jnp.float32),
        jnp.reshape(beta, (1,)).astype(jnp.float32),
        jnp.zeros((_L - r_rules - 1,), jnp.float32),
    ])
    out, slk = _sc_call(x, mat, rule_params, wb, b, n_rows, r_rules)
    return out.reshape(-1, 1), slk[0]

# --- scband reference (transcript-rebuilt; emitter-appended) ---
"""Pipeline reference for scband-disjunction-rule-67001489817858 (READ-ONLY COPY).

The authoritative reference and input builder live on the scoring server;
editing this copy changes nothing except your own understanding.
"""

import jax, jax.numpy as jnp
import numpy as np

M = 2_000_000   # rows of self.df / self.mat (possible output tuples)
N = 1_000_000   # rows per rule's df
R = 8           # number of disjunct rules
B = 16384       # mini-batch of tuple ids


def setup_inputs(seed: int = 0) -> dict:
    key = jax.random.key(seed)
    ks = jax.random.split(key, 5)
    # mini-batch of tuple ids
    x = jax.random.randint(ks[0], (B,), 0, M).astype(jnp.int64)
    # lineage matrix: mat[m, i] = row in rule i's df contributing to tuple m, NaN if none
    idx = jax.random.randint(ks[1], (M, R), 0, N).astype(jnp.float32)
    nan_mask = jax.random.uniform(ks[2], (M, R)) < 0.25
    mat = jnp.where(nan_mask, jnp.float32(jnp.nan), idx)
    # per-rule learned scoring params (stand-in for each rule module's predictions)
    rule_params = jax.random.normal(ks[3], (R, N), dtype=jnp.float32)
    # LNN or_max parameters: per-input weights and bias beta
    w = jax.random.uniform(ks[4], (R,), minval=0.5, maxval=1.5).astype(jnp.float32)
    beta = jnp.array(1.0, dtype=jnp.float32)
    return {"x": x, "mat": mat, "rule_params": rule_params, "w": w, "beta": beta}


def reference(x, mat, rule_params, w, beta):
    # gather lineage rows for the mini-batch: mat[x, :]
    rows = mat[x]                                   # [B, R] gather
    valid = ~jnp.isnan(rows)                        # which rules contribute per tuple
    idx = jnp.where(valid, rows, 0.0).astype(jnp.int32)  # [B, R]
    acts = []
    slacks = jnp.float32(0.0)
    for i in range(rule_params.shape[0]):
        col_idx = idx[:, i]
        # rule i forward on the referenced rows (gather + activation)
        preds = jax.nn.sigmoid(jnp.take(rule_params[i], col_idx, axis=0))  # [B]
        # scatter preds into a dense rule_output buffer (rule_output[idx,] = preds)
        rule_output = jnp.zeros((rule_params.shape[1],), dtype=preds.dtype).at[col_idx].set(preds)
        # my_where: gather back, zero where lineage is NaN
        act = jnp.where(valid[:, i], jnp.take(rule_output, col_idx, axis=0), 0.0)
        acts.append(act)
        slacks = slacks + jnp.float32(0.0)  # per-rule local slacks (zero in this stand-in)
    activations = jnp.stack(acts, axis=1)           # [B, R]
    # LNN weighted-OR (or_max): clamp(1 - beta + sum_i w_i * a_i, 0, 1)
    ret = jnp.clip(1.0 - beta + activations @ w, 0.0, 1.0).reshape(-1, 1)
    # slack penalties enforcing LNN OR constraints on (w, beta)
    local_slacks = jnp.sum(jax.nn.relu(w - 1.0)) + jax.nn.relu(beta - jnp.sum(w))
    slacks = slacks + local_slacks
    return ret, slacks

if __name__ == "__main__":
    import jax
    _d = setup_inputs()
    print(jax.jit(kernel)(*tuple(_d.values())))

</pallas_src>

<mosaic_0001>
#map = affine_map<(d0, d1) -> (0)>
#map1 = affine_map<(d0, d1) -> (0, 0)>
module attributes {stable_mosaic.version = 14 : i64} {
  func.func @_sc_body(%arg0: i32, %arg1: i32, %arg2: memref<16384xi32, #tpu.memory_space<hbm>>, %arg3: memref<2000000x8xf32, #tpu.memory_space<hbm>>, %arg4: memref<8x1000000xf32, #tpu.memory_space<hbm>>, %arg5: memref<16xf32, #tpu.memory_space<hbm>>, %arg6: memref<16384xf32, #tpu.memory_space<hbm>>, %arg7: memref<16xf32, #tpu.memory_space<hbm>>, %arg8: memref<512xi32, #tpu.memory_space<vmem>>, %arg9: memref<512x8xf32, #tpu.memory_space<vmem>>, %arg10: memref<8x512xi32, #tpu.memory_space<vmem>>, %arg11: memref<4096xf32, #tpu.memory_space<vmem>>, %arg12: memref<512xf32, #tpu.memory_space<vmem>>, %arg13: memref<16xf32, #tpu.memory_space<vmem>>, %arg14: memref<128xi32, #tpu.memory_space<vmem>>, %arg15: memref<16xf32, #tpu.memory_space<vmem>>, %arg16: memref<!tpu.dma_semaphore, #tpu.memory_space<semaphore_mem>>, %arg17: memref<!tpu.dma_semaphore, #tpu.memory_space<semaphore_mem>>) attributes {dimension_semantics = [#tpu.dimension_semantics<core_parallel>, #tpu.dimension_semantics<subcore_parallel>], iteration_bounds = array<i64: 2, 16>, scalar_prefetch = 0 : i64, scratch_operands = 10 : i64, tpu.core_type = #tpu.core_type<sc_vector_subcore>, window_params = [{transform_indices = #map}, {transform_indices = #map1}, {transform_indices = #map1}, {transform_indices = #map}, {transform_indices = #map}, {transform_indices = #map}]} {
    %mul3A = arith.constant 2 : i32
    %mul3A_0 = arith.muli %arg1, %mul3A : i32
    %add3A = arith.addi %mul3A_0, %arg0 : i32
    %mul3A_1 = arith.constant 512 : i32
    %mul3A_2 = arith.muli %add3A, %mul3A_1 : i32
    %iota3A = tpu.iota {dimensions = array<i32: 0>} : vector<16xi32>
    "tpu.region"() ({
      %run_scoped3A = tpu.sem_alloc : memref<!tpu.dma_semaphore, #tpu.memory_space<semaphore_mem>>
      %dma_start3A_403 = tpu.memref_slice %arg2[%mul3A_2] : memref<16384xi32, #tpu.memory_space<hbm>> -> memref<512xi32, #tpu.memory_space<hbm>>
      %dma_start3A_404 = tpu.memref_slice %arg2[%mul3A_2] : memref<16384xi32, #tpu.memory_space<hbm>> -> memref<512xi32, #tpu.memory_space<hbm>>
      tpu.enqueue_dma source(%dma_start3A_404 : memref<512xi32, #tpu.memory_space<hbm>>) target(%arg8 : memref<512xi32, #tpu.memory_space<vmem>>) target_semaphore(%run_scoped3A : memref<!tpu.dma_semaphore, #tpu.memory_space<semaphore_mem>>)
      %dma_wait3A_405 = tpu.memref_slice %arg2[%mul3A_2] : memref<16384xi32, #tpu.memory_space<hbm>> -> memref<512xi32, #tpu.memory_space<hbm>>
      %dma_wait3A_406 = tpu.memref_slice %arg2[%mul3A_2] : memref<16384xi32, #tpu.memory_space<hbm>> -> memref<512xi32, #tpu.memory_space<hbm>>
      tpu.wait_dma2 semaphore(%run_scoped3A : memref<!tpu.dma_semaphore, #tpu.memory_space<semaphore_mem>>) src(%dma_wait3A_406 : memref<512xi32, #tpu.memory_space<hbm>>) dst(%arg8 : memref<512xi32, #tpu.memory_space<vmem>>)
      tpu.yield
    }) : () -> ()
    "tpu.region"() ({
      %run_scoped3A = tpu.sem_alloc : memref<!tpu.dma_semaphore, #tpu.memory_space<semaphore_mem>>
      tpu.enqueue_dma source(%arg5 : memref<16xf32, #tpu.memory_space<hbm>>) target(%arg13 : memref<16xf32, #tpu.memory_space<vmem>>) target_semaphore(%run_scoped3A : memref<!tpu.dma_semaphore, #tpu.memory_space<semaphore_mem>>)
      tpu.wait_dma2 semaphore(%run_scoped3A : memref<!tpu.dma_semaphore, #tpu.memory_space<semaphore_mem>>) src(%arg5 : memref<16xf32, #tpu.memory_space<hbm>>) dst(%arg13 : memref<16xf32, #tpu.memory_space<vmem>>)
      tpu.yield
    }) : () -> ()
    %scan3A = arith.constant 0 : i32
    %scan3A_3 = arith.constant 0 : i32
    %scan3A_4 = arith.constant 8 : i32
    %scan3A_5 = arith.addi %scan3A_3, %scan3A_4 : i32
    %scan3A_6 = arith.constant 1 : i32
    %scan3A_7 = scf.for %scan3A_403 = %scan3A_3 to %scan3A_5 step %scan3A_6 iter_args(%scan3A_404 = %scan3A) -> (i32)  : i32 {
      %mul3A_405 = arith.constant 16 : i32
      %mul3A_406 = arith.muli %scan3A_403, %mul3A_405 : i32
      %multiple_of3A = tpu.assume_multiple %mul3A_406, 16 : i32
      %broadcast_in_dim3A_407 = arith.constant 0 : i32
      %broadcast_in_dim3A_408 = vector.broadcast %broadcast_in_dim3A_407 : i32 to vector<16xi32>
      %add3A_409 = vector.broadcast %scan3A_403 : i32 to vector<16xi32>
      %add3A_410 = arith.addi %broadcast_in_dim3A_408, %add3A_409 : vector<16xi32>
      %swap3A = arith.index_cast %multiple_of3A : i32 to index
      %swap3A_411 = tpu.vector_load %arg14[%swap3A] {strides = array<i32>} : memref<128xi32, #tpu.memory_space<vmem>>, vector<16xi32>,
      tpu.vector_store %arg14[%swap3A], %add3A_410 {strides = array<i32>} : memref<128xi32, #tpu.memory_space<vmem>>, vector<16xi32>,
      %scan3A_412 = arith.constant 0 : i32
      scf.yield %scan3A_412 : i32
    }
    %scan3A_8 = arith.constant 8 : i32
    %dma_start3A = arith.constant 0 : i32
    %dma_start3A_9 = arith.constant 0 : i32
    %dma_start3A_10 = tpu.memref_slice %arg9[%dma_start3A, %dma_start3A_9] : memref<512x8xf32, #tpu.memory_space<vmem>> -> memref<512x8xf32, #tpu.memory_space<vmem>>
    %dma_start3A_11 = arith.constant 0 : i32
    %dma_start3A_12 = tpu.memref_slice %arg8[%dma_start3A_11] : memref<512xi32, #tpu.memory_space<vmem>> -> memref<512xi32, #tpu.memory_space<vmem>>
    %dma_start3A_13 = arith.constant 0 : i32
    %dma_start3A_14 = arith.constant 0 : i32
    %dma_start3A_15 = tpu.memref_slice %arg3[%dma_start3A_13, %dma_start3A_14] : memref<2000000x8xf32, #tpu.memory_space<hbm>> -> memref<2000000x8xf32, #tpu.memory_space<hbm>>
    tpu.enqueue_indirect_dma source(%dma_start3A_15 : memref<2000000x8xf32, #tpu.memory_space<hbm>>) target(%dma_start3A_10 : memref<512x8xf32, #tpu.memory_space<vmem>>) offsets(%dma_start3A_12 : memref<512xi32, #tpu.memory_space<vmem>>) semaphore(%arg16 : memref<!tpu.dma_semaphore, #tpu.memory_space<semaphore_mem>>)
    %dma_wait3A = arith.constant 0 : i32
    %dma_wait3A_16 = arith.constant 0 : i32
    %dma_wait3A_17 = tpu.memref_slice %arg9[%dma_wait3A, %dma_wait3A_16] : memref<512x8xf32, #tpu.memory_space<vmem>> -> memref<512x8xf32, #tpu.memory_space<vmem>>
    %dma_wait3A_18 = arith.constant 0 : i32
    %dma_wait3A_19 = tpu.memref_slice %arg8[%dma_wait3A_18] : memref<512xi32, #tpu.memory_space<vmem>> -> memref<512xi32, #tpu.memory_space<vmem>>
    %dma_wait3A_20 = arith.constant 0 : i32
    %dma_wait3A_21 = arith.constant 0 : i32
    %dma_wait3A_22 = tpu.memref_slice %arg3[%dma_wait3A_20, %dma_wait3A_21] : memref<2000000x8xf32, #tpu.memory_space<hbm>> -> memref<2000000x8xf32, #tpu.memory_space<hbm>>
    tpu.wait_indirect_dma semaphore(%arg16 : memref<!tpu.dma_semaphore, #tpu.memory_space<semaphore_mem>>) src(%dma_wait3A_22 : memref<2000000x8xf32, #tpu.memory_space<hbm>>) dst(%dma_wait3A_17 : memref<512x8xf32, #tpu.memory_space<vmem>>)
    %scan3A_23 = arith.constant 0 : i32
    %scan3A_24 = arith.constant 0 : i32
    %scan3A_25 = arith.constant 32 : i32
    %scan3A_26 = arith.addi %scan3A_24, %scan3A_25 : i32
    %scan3A_27 = arith.constant 1 : i32
    %scan3A_28 = scf.for %scan3A_403 = %scan3A_24 to %scan3A_26 step %scan3A_27 iter_args(%scan3A_404 = %scan3A_23) -> (i32)  : i32 {
      %jit3A_405 = arith.constant 32 : i32
      %div3A = arith.divsi %scan3A_403, %jit3A_405 : i32
      %sign3A = arith.constant 0 : i32
      %sign3A_406 = arith.cmpi sgt, %scan3A_403, %sign3A : i32
      %sign3A_407 = arith.extui %sign3A_406 : i1 to i32
      %sign3A_408 = arith.constant 0 : i32
      %sign3A_409 = arith.cmpi slt, %scan3A_403, %sign3A_408 : i32
      %sign3A_410 = arith.extui %sign3A_409 : i1 to i32
      %sign3A_411 = arith.subi %sign3A_407, %sign3A_410 : i32
      %sign3A_412 = arith.constant 0 : i32
      %sign3A_413 = arith.cmpi sgt, %jit3A_405, %sign3A_412 : i32
      %sign3A_414 = arith.extui %sign3A_413 : i1 to i32
      %sign3A_415 = arith.constant 0 : i32
      %sign3A_416 = arith.cmpi slt, %jit3A_405, %sign3A_415 : i32
      %sign3A_417 = arith.extui %sign3A_416 : i1 to i32
      %sign3A_418 = arith.subi %sign3A_414, %sign3A_417 : i32
      %ne3A = arith.cmpi ne, %sign3A_411, %sign3A_418 : i32
      %rem3A = arith.remsi %scan3A_403, %jit3A_405 : i32
      %ne3A_419 = arith.constant 0 : i32
      %ne3A_420 = arith.cmpi ne, %rem3A, %ne3A_419 : i32
      %and3A = arith.andi %ne3A, %ne3A_420 : i1
      %sub3A = arith.constant 1 : i32
      %sub3A_421 = arith.subi %div3A, %sub3A : i32
      %select_n3A_422 = arith.select %and3A, %sub3A_421, %div3A : i32
      %mul3A_423 = arith.constant 32 : i32
      %mul3A_424 = arith.muli %select_n3A_422, %mul3A_423 : i32
      %sub3A_425 = arith.subi %scan3A_403, %mul3A_424 : i32
      %mul3A_426 = arith.constant 16 : i32
      %mul3A_427 = arith.muli %sub3A_425, %mul3A_426 : i32
      %add3A_428 = vector.broadcast %mul3A_427 : i32 to vector<16xi32>
      %add3A_429 = arith.addi %add3A_428, %iota3A : vector<16xi32>
      %mul3A_430 = arith.constant 16 : i32
      %mul3A_431 = arith.muli %select_n3A_422, %mul3A_430 : i32
      %multiple_of3A = tpu.assume_multiple %mul3A_431, 16 : i32
      %get3A_432 = arith.index_cast %multiple_of3A : i32 to index
      %get3A_433 = tpu.vector_load %arg14[%get3A_432] {strides = array<i32>} : memref<128xi32, #tpu.memory_space<vmem>>, vector<16xi32>,
      %gather3A = tpu.vector_load_idx %arg9[%add3A_429, %get3A_433] : memref<512x8xf32, #tpu.memory_space<vmem>>[vector<16xi32>, vector<16xi32>], vector<16xf32>,
      %eq3A_434 = arith.cmpf oeq, %gather3A, %gather3A : vector<16xf32>
      %jit3A_435 = arith.constant 0.000000e+00 : f32
      %broadcast_in_dim3A_436 = vector.broadcast %jit3A_435 : f32 to vector<16xf32>
      %select_n3A_437 = arith.select %eq3A_434, %gather3A, %broadcast_in_dim3A_436 : vector<16xi1>, vector<16xf32>
      %convert_element_type3A_438 = arith.fptosi %select_n3A_437 : vector<16xf32> to vector<16xi32>
      %jit3A_439 = arith.constant 32 : i32
      %div3A_440 = arith.divsi %scan3A_403, %jit3A_439 : i32
      %sign3A_441 = arith.constant 0 : i32
      %sign3A_442 = arith.cmpi sgt, %scan3A_403, %sign3A_441 : i32
      %sign3A_443 = arith.extui %sign3A_442 : i1 to i32
      %sign3A_444 = arith.constant 0 : i32
      %sign3A_445 = arith.cmpi slt, %scan3A_403, %sign3A_444 : i32
      %sign3A_446 = arith.extui %sign3A_445 : i1 to i32
      %sign3A_447 = arith.subi %sign3A_443, %sign3A_446 : i32
      %sign3A_448 = arith.constant 0 : i32
      %sign3A_449 = arith.cmpi sgt, %jit3A_439, %sign3A_448 : i32
      %sign3A_450 = arith.extui %sign3A_449 : i1 to i32
      %sign3A_451 = arith.constant 0 : i32
      %sign3A_452 = arith.cmpi slt, %jit3A_439, %sign3A_451 : i32
      %sign3A_453 = arith.extui %sign3A_452 : i1 to i32
      %sign3A_454 = arith.subi %sign3A_450, %sign3A_453 : i32
      %ne3A_455 = arith.cmpi ne, %sign3A_447, %sign3A_454 : i32
      %rem3A_456 = arith.remsi %scan3A_403, %jit3A_439 : i32
      %ne3A_457 = arith.constant 0 : i32
      %ne3A_458 = arith.cmpi ne, %rem3A_456, %ne3A_457 : i32
      %and3A_459 = arith.andi %ne3A_455, %ne3A_458 : i1
      %sub3A_460 = arith.constant 1 : i32
      %sub3A_461 = arith.subi %div3A_440, %sub3A_460 : i32
      %select_n3A_462 = arith.select %and3A_459, %sub3A_461, %div3A_440 : i32
      %mul3A_463 = arith.constant 32 : i32
      %mul3A_464 = arith.muli %select_n3A_462, %mul3A_463 : i32
      %sub3A_465 = arith.subi %scan3A_403, %mul3A_464 : i32
      %mul3A_466 = arith.constant 16 : i32
      %mul3A_467 = arith.muli %sub3A_465, %mul3A_466 : i32
      %multiple_of3A_468 = tpu.assume_multiple %mul3A_467, 16 : i32
      %swap3A = arith.index_cast %select_n3A_462 : i32 to index
      %swap3A_469 = arith.index_cast %multiple_of3A_468 : i32 to index
      %swap3A_470 = tpu.vector_load %arg10[%swap3A, %swap3A_469] {strides = array<i32>} : memref<8x512xi32, #tpu.memory_space<vmem>>, vector<16xi32>,
      tpu.vector_store %arg10[%swap3A, %swap3A_469], %convert_element_type3A_438 {strides = array<i32>} : memref<8x512xi32, #tpu.memory_space<vmem>>, vector<16xi32>,
      %scan3A_471 = arith.constant 0 : i32
      scf.yield %scan3A_471 : i32
    }
    %scan3A_29 = arith.constant 32 : i32
    %dma_start3A_30 = arith.constant 0 : i32
    %dma_start3A_31 = arith.constant 0 : i32
    %dma_start3A_32 = arith.constant 0 : i32
    %dma_start3A_33 = tpu.memref_slice %arg11[%dma_start3A_32] : memref<4096xf32, #tpu.memory_space<vmem>> -> memref<512xf32, #tpu.memory_space<vmem>>
    %dma_start3A_34 = arith.constant 0 : i32
    %dma_start3A_35 = tpu.memref_slice %arg10[%dma_start3A_31, %dma_start3A_34] : memref<8x512xi32, #tpu.memory_space<vmem>> -> memref<1x512xi32, #tpu.memory_space<vmem>>
    %dma_start3A_36 = tpu.memref_squeeze %dma_start3A_35 : memref<1x512xi32, #tpu.memory_space<vmem>> -> memref<512xi32, #tpu.memory_space<vmem>>
    %dma_start3A_37 = arith.constant 0 : i32
    %dma_start3A_38 = tpu.memref_slice %arg4[%dma_start3A_30, %dma_start3A_37] : memref<8x1000000xf32, #tpu.memory_space<hbm>> -> memref<1x1000000xf32, #tpu.memory_space<hbm>>
    %dma_start3A_39 = tpu.memref_squeeze %dma_start3A_38 : memref<1x1000000xf32, #tpu.memory_space<hbm>> -> memref<1000000xf32, #tpu.memory_space<hbm>>
    %dma_start3A_40 = arith.constant 0 : i32
    %dma_start3A_41 = tpu.memref_slice %dma_start3A_39[%dma_start3A_40] : memref<1000000xf32, #tpu.memory_space<hbm>> -> memref<1000000xf32, #tpu.memory_space<hbm>>
    tpu.enqueue_indirect_dma source(%dma_start3A_41 : memref<1000000xf32, #tpu.memory_space<hbm>>) target(%dma_start3A_33 : memref<512xf32, #tpu.memory_space<vmem>>) offsets(%dma_start3A_36 : memref<512xi32, #tpu.memory_space<vmem>>) semaphore(%arg17 : memref<!tpu.dma_semaphore, #tpu.memory_space<semaphore_mem>>)
    %scan3A_42 = arith.constant 0 : i32
    %scan3A_43 = arith.constant 32 : i32
    %scan3A_44 = arith.constant 32 : i32
    %scan3A_45 = arith.addi %scan3A_43, %scan3A_44 : i32
    %scan3A_46 = arith.constant 1 : i32
    %scan3A_47 = scf.for %scan3A_403 = %scan3A_43 to %scan3A_45 step %scan3A_46 iter_args(%scan3A_404 = %scan3A_42) -> (i32)  : i32 {
      %jit3A_405 = arith.constant 32 : i32
      %div3A = arith.divsi %scan3A_403, %jit3A_405 : i32
      %sign3A = arith.constant 0 : i32
      %sign3A_406 = arith.cmpi sgt, %scan3A_403, %sign3A : i32
      %sign3A_407 = arith.extui %sign3A_406 : i1 to i32
      %sign3A_408 = arith.constant 0 : i32
      %sign3A_409 = arith.cmpi slt, %scan3A_403, %sign3A_408 : i32
      %sign3A_410 = arith.extui %sign3A_409 : i1 to i32
      %sign3A_411 = arith.subi %sign3A_407, %sign3A_410 : i32
      %sign3A_412 = arith.constant 0 : i32
      %sign3A_413 = arith.cmpi sgt, %jit3A_405, %sign3A_412 : i32
      %sign3A_414 = arith.extui %sign3A_413 : i1 to i32
      %sign3A_415 = arith.constant 0 : i32
      %sign3A_416 = arith.cmpi slt, %jit3A_405, %sign3A_415 : i32
      %sign3A_417 = arith.extui %sign3A_416 : i1 to i32
      %sign3A_418 = arith.subi %sign3A_414, %sign3A_417 : i32
      %ne3A = arith.cmpi ne, %sign3A_411, %sign3A_418 : i32
      %rem3A = arith.remsi %scan3A_403, %jit3A_405 : i32
      %ne3A_419 = arith.constant 0 : i32
      %ne3A_420 = arith.cmpi ne, %rem3A, %ne3A_419 : i32
      %and3A = arith.andi %ne3A, %ne3A_420 : i1
      %sub3A = arith.constant 1 : i32
      %sub3A_421 = arith.subi %div3A, %sub3A : i32
      %select_n3A_422 = arith.select %and3A, %sub3A_421, %div3A : i32
      %mul3A_423 = arith.constant 32 : i32
      %mul3A_424 = arith.muli %select_n3A_422, %mul3A_423 : i32
      %sub3A_425 = arith.subi %scan3A_403, %mul3A_424 : i32
      %mul3A_426 = arith.constant 16 : i32
      %mul3A_427 = arith.muli %sub3A_425, %mul3A_426 : i32
      %add3A_428 = vector.broadcast %mul3A_427 : i32 to vector<16xi32>
      %add3A_429 = arith.addi %add3A_428, %iota3A : vector<16xi32>
      %mul3A_430 = arith.constant 16 : i32
      %mul3A_431 = arith.muli %select_n3A_422, %mul3A_430 : i32
      %multiple_of3A = tpu.assume_multiple %mul3A_431, 16 : i32
      %get3A_432 = arith.index_cast %multiple_of3A : i32 to index
      %get3A_433 = tpu.vector_load %arg14[%get3A_432] {strides = array<i32>} : memref<128xi32, #tpu.memory_space<vmem>>, vector<16xi32>,
      %gather3A = tpu.vector_load_idx %arg9[%add3A_429, %get3A_433] : memref<512x8xf32, #tpu.memory_space<vmem>>[vector<16xi32>, vector<16xi32>], vector<16xf32>,
      %eq3A_434 = arith.cmpf oeq, %gather3A, %gather3A : vector<16xf32>
      %jit3A_435 = arith.constant 0.000000e+00 : f32
      %broadcast_in_dim3A_436 = vector.broadcast %jit3A_435 : f32 to vector<16xf32>
      %select_n3A_437 = arith.select %eq3A_434, %gather3A, %broadcast_in_dim3A_436 : vector<16xi1>, vector<16xf32>
      %convert_element_type3A_438 = arith.fptosi %select_n3A_437 : vector<16xf32> to vector<16xi32>
      %jit3A_439 = arith.constant 32 : i32
      %div3A_440 = arith.divsi %scan3A_403, %jit3A_439 : i32
      %sign3A_441 = arith.constant 0 : i32
      %sign3A_442 = arith.cmpi sgt, %scan3A_403, %sign3A_441 : i32
      %sign3A_443 = arith.extui %sign3A_442 : i1 to i32
      %sign3A_444 = arith.constant 0 : i32
      %sign3A_445 = arith.cmpi slt, %scan3A_403, %sign3A_444 : i32
      %sign3A_446 = arith.extui %sign3A_445 : i1 to i32
      %sign3A_447 = arith.subi %sign3A_443, %sign3A_446 : i32
      %sign3A_448 = arith.constant 0 : i32
      %sign3A_449 = arith.cmpi sgt, %jit3A_439, %sign3A_448 : i32
      %sign3A_450 = arith.extui %sign3A_449 : i1 to i32
      %sign3A_451 = arith.constant 0 : i32
      %sign3A_452 = arith.cmpi slt, %jit3A_439, %sign3A_451 : i32
      %sign3A_453 = arith.extui %sign3A_452 : i1 to i32
      %sign3A_454 = arith.subi %sign3A_450, %sign3A_453 : i32
      %ne3A_455 = arith.cmpi ne, %sign3A_447, %sign3A_454 : i32
      %rem3A_456 = arith.remsi %scan3A_403, %jit3A_439 : i32
      %ne3A_457 = arith.constant 0 : i32
      %ne3A_458 = arith.cmpi ne, %rem3A_456, %ne3A_457 : i32
      %and3A_459 = arith.andi %ne3A_455, %ne3A_458 : i1
      %sub3A_460 = arith.constant 1 : i32
      %sub3A_461 = arith.subi %div3A_440, %sub3A_460 : i32
      %select_n3A_462 = arith.select %and3A_459, %sub3A_461, %div3A_440 : i32
      %mul3A_463 = arith.constant 32 : i32
      %mul3A_464 = arith.muli %select_n3A_462, %mul3A_463 : i32
      %sub3A_465 = arith.subi %scan3A_403, %mul3A_464 : i32
      %mul3A_466 = arith.constant 16 : i32
      %mul3A_467 = arith.muli %sub3A_465, %mul3A_466 : i32
      %multiple_of3A_468 = tpu.assume_multiple %mul3A_467, 16 : i32
      %swap3A = arith.index_cast %select_n3A_462 : i32 to index
      %swap3A_469 = arith.index_cast %multiple_of3A_468 : i32 to index
      %swap3A_470 = tpu.vector_load %arg10[%swap3A, %swap3A_469] {strides = array<i32>} : memref<8x512xi32, #tpu.memory_space<vmem>>, vector<16xi32>,
      tpu.vector_store %arg10[%swap3A, %swap3A_469], %convert_element_type3A_438 {strides = array<i32>} : memref<8x512xi32, #tpu.memory_space<vmem>>, vector<16xi32>,
      %scan3A_471 = arith.constant 0 : i32
      scf.yield %scan3A_471 : i32
    }
    %scan3A_48 = arith.constant 32 : i32
    %dma_start3A_49 = arith.constant 1 : i32
    %dma_start3A_50 = arith.constant 1 : i32
    %dma_start3A_51 = arith.constant 512 : i32
    %dma_start3A_52 = tpu.memref_slice %arg11[%dma_start3A_51] : memref<4096xf32, #tpu.memory_space<vmem>> -> memref<512xf32, #tpu.memory_space<vmem>>
    %dma_start3A_53 = arith.constant 0 : i32
    %dma_start3A_54 = tpu.memref_slice %arg10[%dma_start3A_50, %dma_start3A_53] : memref<8x512xi32, #tpu.memory_space<vmem>> -> memref<1x512xi32, #tpu.memory_space<vmem>>
    %dma_start3A_55 = tpu.memref_squeeze %dma_start3A_54 : memref<1x512xi32, #tpu.memory_space<vmem>> -> memref<512xi32, #tpu.memory_space<vmem>>
    %dma_start3A_56 = arith.constant 0 : i32
    %dma_start3A_57 = tpu.memref_slice %arg4[%dma_start3A_49, %dma_start3A_56] : memref<8x1000000xf32, #tpu.memory_space<hbm>> -> memref<1x1000000xf32, #tpu.memory_space<hbm>>
    %dma_start3A_58 = tpu.memref_squeeze %dma_start3A_57 : memref<1x1000000xf32, #tpu.memory_space<hbm>> -> memref<1000000xf32, #tpu.memory_space<hbm>>
    %dma_start3A_59 = arith.constant 0 : i32
    %dma_start3A_60 = tpu.memref_slice %dma_start3A_58[%dma_start3A_59] : memref<1000000xf32, #tpu.memory_space<hbm>> -> memref<1000000xf32, #tpu.memory_space<hbm>>
    tpu.enqueue_indirect_dma source(%dma_start3A_60 : memref<1000000xf32, #tpu.memory_space<hbm>>) target(%dma_start3A_52 : memref<512xf32, #tpu.memory_space<vmem>>) offsets(%dma_start3A_55 : memref<512xi32, #tpu.memory_space<vmem>>) semaphore(%arg17 : memref<!tpu.dma_semaphore, #tpu.memory_space<semaphore_mem>>)
    %scan3A_61 = arith.constant 0 : i32
    %scan3A_62 = arith.constant 64 : i32
    %scan3A_63 = arith.constant 32 : i32
    %scan3A_64 = arith.addi %scan3A_62, %scan3A_63 : i32
    %scan3A_65 = arith.constant 1 : i32
    %scan3A_66 = scf.for %scan3A_403 = %scan3A_62 to %scan3A_64 step %scan3A_65 iter_args(%scan3A_404 = %scan3A_61) -> (i32)  : i32 {
      %jit3A_405 = arith.constant 32 : i32
      %div3A = arith.divsi %scan3A_403, %jit3A_405 : i32
      %sign3A = arith.constant 0 : i32
      %sign3A_406 = arith.cmpi sgt, %scan3A_403, %sign3A : i32
      %sign3A_407 = arith.extui %sign3A_406 : i1 to i32
      %sign3A_408 = arith.constant 0 : i32
      %sign3A_409 = arith.cmpi slt, %scan3A_403, %sign3A_408 : i32
      %sign3A_410 = arith.extui %sign3A_409 : i1 to i32
      %sign3A_411 = arith.subi %sign3A_407, %sign3A_410 : i32
      %sign3A_412 = arith.constant 0 : i32
      %sign3A_413 = arith.cmpi sgt, %jit3A_405, %sign3A_412 : i32
      %sign3A_414 = arith.extui %sign3A_413 : i1 to i32
      %sign3A_415 = arith.constant 0 : i32
      %sign3A_416 = arith.cmpi slt, %jit3A_405, %sign3A_415 : i32
      %sign3A_417 = arith.extui %sign3A_416 : i1 to i32
      %sign3A_418 = arith.subi %sign3A_414, %sign3A_417 : i32
      %ne3A = arith.cmpi ne, %sign3A_411, %sign3A_418 : i32
      %rem3A = arith.remsi %scan3A_403, %jit3A_405 : i32
      %ne3A_419 = arith.constant 0 : i32
      %ne3A_420 = arith.cmpi ne, %rem3A, %ne3A_419 : i32
      %and3A = arith.andi %ne3A, %ne3A_420 : i1
      %sub3A = arith.constant 1 : i32
      %sub3A_421 = arith.subi %div3A, %sub3A : i32
      %select_n3A_422 = arith.select %and3A, %sub3A_421, %div3A : i32
      %mul3A_423 = arith.constant 32 : i32
      %mul3A_424 = arith.muli %select_n3A_422, %mul3A_423 : i32
      %sub3A_425 = arith.subi %scan3A_403, %mul3A_424 : i32
      %mul3A_426 = arith.constant 16 : i32
      %mul3A_427 = arith.muli %sub3A_425, %mul3A_426 : i32
      %add3A_428 = vector.broadcast %mul3A_427 : i32 to vector<16xi32>
      %add3A_429 = arith.addi %add3A_428, %iota3A : vector<16xi32>
      %mul3A_430 = arith.constant 16 : i32
      %mul3A_431 = arith.muli %select_n3A_422, %mul3A_430 : i32
      %multiple_of3A = tpu.assume_multiple %mul3A_431, 16 : i32
      %get3A_432 = arith.index_cast %multiple_of3A : i32 to index
      %get3A_433 = tpu.vector_load %arg14[%get3A_432] {strides = array<i32>} : memref<128xi32, #tpu.memory_space<vmem>>, vector<16xi32>,
      %gather3A = tpu.vector_load_idx %arg9[%add3A_429, %get3A_433] : memref<512x8xf32, #tpu.memory_space<vmem>>[vector<16xi32>, vector<16xi32>], vector<16xf32>,
      %eq3A_434 = arith.cmpf oeq, %gather3A, %gather3A : vector<16xf32>
      %jit3A_435 = arith.constant 0.000000e+00 : f32
      %broadcast_in_dim3A_436 = vector.broadcast %jit3A_435 : f32 to vector<16xf32>
      %select_n3A_437 = arith.select %eq3A_434, %gather3A, %broadcast_in_dim3A_436 : vector<16xi1>, vector<16xf32>
      %convert_element_type3A_438 = arith.fptosi %select_n3A_437 : vector<16xf32> to vector<16xi32>
      %jit3A_439 = arith.constant 32 : i32
      %div3A_440 = arith.divsi %scan3A_403, %jit3A_439 : i32
      %sign3A_441 = arith.constant 0 : i32
      %sign3A_442 = arith.cmpi sgt, %scan3A_403, %sign3A_441 : i32
      %sign3A_443 = arith.extui %sign3A_442 : i1 to i32
      %sign3A_444 = arith.constant 0 : i32
      %sign3A_445 = arith.cmpi slt, %scan3A_403, %sign3A_444 : i32
      %sign3A_446 = arith.extui %sign3A_445 : i1 to i32
      %sign3A_447 = arith.subi %sign3A_443, %sign3A_446 : i32
      %sign3A_448 = arith.constant 0 : i32
      %sign3A_449 = arith.cmpi sgt, %jit3A_439, %sign3A_448 : i32
      %sign3A_450 = arith.extui %sign3A_449 : i1 to i32
      %sign3A_451 = arith.constant 0 : i32
      %sign3A_452 = arith.cmpi slt, %jit3A_439, %sign3A_451 : i32
      %sign3A_453 = arith.extui %sign3A_452 : i1 to i32
      %sign3A_454 = arith.subi %sign3A_450, %sign3A_453 : i32
      %ne3A_455 = arith.cmpi ne, %sign3A_447, %sign3A_454 : i32
      %rem3A_456 = arith.remsi %scan3A_403, %jit3A_439 : i32
      %ne3A_457 = arith.constant 0 : i32
      %ne3A_458 = arith.cmpi ne, %rem3A_456, %ne3A_457 : i32
      %and3A_459 = arith.andi %ne3A_455, %ne3A_458 : i1
      %sub3A_460 = arith.constant 1 : i32
      %sub3A_461 = arith.subi %div3A_440, %sub3A_460 : i32
      %select_n3A_462 = arith.select %and3A_459, %sub3A_461, %div3A_440 : i32
      %mul3A_463 = arith.constant 32 : i32
      %mul3A_464 = arith.muli %select_n3A_462, %mul3A_463 : i32
      %sub3A_465 = arith.subi %scan3A_403, %mul3A_464 : i32
      %mul3A_466 = arith.constant 16 : i32
      %mul3A_467 = arith.muli %sub3A_465, %mul3A_466 : i32
      %multiple_of3A_468 = tpu.assume_multiple %mul3A_467, 16 : i32
      %swap3A = arith.index_cast %select_n3A_462 : i32 to index
      %swap3A_469 = arith.index_cast %multiple_of3A_468 : i32 to index
      %swap3A_470 = tpu.vector_load %arg10[%swap3A, %swap3A_469] {strides = array<i32>} : memref<8x512xi32, #tpu.memory_space<vmem>>, vector<16xi32>,
      tpu.vector_store %arg10[%swap3A, %swap3A_469], %convert_element_type3A_438 {strides = array<i32>} : memref<8x512xi32, #tpu.memory_space<vmem>>, vector<16xi32>,
      %scan3A_471 = arith.constant 0 : i32
      scf.yield %scan3A_471 : i32
    }
    %scan3A_67 = arith.constant 32 : i32
    %dma_start3A_68 = arith.constant 2 : i32
    %dma_start3A_69 = arith.constant 2 : i32
    %dma_start3A_70 = arith.constant 1024 : i32
    %dma_start3A_71 = tpu.memref_slice %arg11[%dma_start3A_70] : memref<4096xf32, #tpu.memory_space<vmem>> -> memref<512xf32, #tpu.memory_space<vmem>>
    %dma_start3A_72 = arith.constant 0 : i32
    %dma_start3A_73 = tpu.memref_slice %arg10[%dma_start3A_69, %dma_start3A_72] : memref<8x512xi32, #tpu.memory_space<vmem>> -> memref<1x512xi32, #tpu.memory_space<vmem>>
    %dma_start3A_74 = tpu.memref_squeeze %dma_start3A_73 : memref<1x512xi32, #tpu.memory_space<vmem>> -> memref<512xi32, #tpu.memory_space<vmem>>
    %dma_start3A_75 = arith.constant 0 : i32
    %dma_start3A_76 = tpu.memref_slice %arg4[%dma_start3A_68, %dma_start3A_75] : memref<8x1000000xf32, #tpu.memory_space<hbm>> -> memref<1x1000000xf32, #tpu.memory_space<hbm>>
    %dma_start3A_77 = tpu.memref_squeeze %dma_start3A_76 : memref<1x1000000xf32, #tpu.memory_space<hbm>> -> memref<1000000xf32, #tpu.memory_space<hbm>>
    %dma_start3A_78 = arith.constant 0 : i32
    %dma_start3A_79 = tpu.memref_slice %dma_start3A_77[%dma_start3A_78] : memref<1000000xf32, #tpu.memory_space<hbm>> -> memref<1000000xf32, #tpu.memory_space<hbm>>
    tpu.enqueue_indirect_dma source(%dma_start3A_79 : memref<1000000xf32, #tpu.memory_space<hbm>>) target(%dma_start3A_71 : memref<512xf32, #tpu.memory_space<vmem>>) offsets(%dma_start3A_74 : memref<512xi32, #tpu.memory_space<vmem>>) semaphore(%arg17 : memref<!tpu.dma_semaphore, #tpu.memory_space<semaphore_mem>>)
    %scan3A_80 = arith.constant 0 : i32
    %scan3A_81 = arith.constant 96 : i32
    %scan3A_82 = arith.constant 32 : i32
    %scan3A_83 = arith.addi %scan3A_81, %scan3A_82 : i32
    %scan3A_84 = arith.constant 1 : i32
    %scan3A_85 = scf.for %scan3A_403 = %scan3A_81 to %scan3A_83 step %scan3A_84 iter_args(%scan3A_404 = %scan3A_80) -> (i32)  : i32 {
      %jit3A_405 = arith.constant 32 : i32
      %div3A = arith.divsi %scan3A_403, %jit3A_405 : i32
      %sign3A = arith.constant 0 : i32
      %sign3A_406 = arith.cmpi sgt, %scan3A_403, %sign3A : i32
      %sign3A_407 = arith.extui %sign3A_406 : i1 to i32
      %sign3A_408 = arith.constant 0 : i32
      %sign3A_409 = arith.cmpi slt, %scan3A_403, %sign3A_408 : i32
      %sign3A_410 = arith.extui %sign3A_409 : i1 to i32
      %sign3A_411 = arith.subi %sign3A_407, %sign3A_410 : i32
      %sign3A_412 = arith.constant 0 : i32
      %sign3A_413 = arith.cmpi sgt, %jit3A_405, %sign3A_412 : i32
      %sign3A_414 = arith.extui %sign3A_413 : i1 to i32
      %sign3A_415 = arith.constant 0 : i32
      %sign3A_416 = arith.cmpi slt, %jit3A_405, %sign3A_415 : i32
      %sign3A_417 = arith.extui %sign3A_416 : i1 to i32
      %sign3A_418 = arith.subi %sign3A_414, %sign3A_417 : i32
      %ne3A = arith.cmpi ne, %sign3A_411, %sign3A_418 : i32
      %rem3A = arith.remsi %scan3A_403, %jit3A_405 : i32
      %ne3A_419 = arith.constant 0 : i32
      %ne3A_420 = arith.cmpi ne, %rem3A, %ne3A_419 : i32
      %and3A = arith.andi %ne3A, %ne3A_420 : i1
      %sub3A = arith.constant 1 : i32
      %sub3A_421 = arith.subi %div3A, %sub3A : i32
      %select_n3A_422 = arith.select %and3A, %sub3A_421, %div3A : i32
      %mul3A_423 = arith.constant 32 : i32
      %mul3A_424 = arith.muli %select_n3A_422, %mul3A_423 : i32
      %sub3A_425 = arith.subi %scan3A_403, %mul3A_424 : i32
      %mul3A_426 = arith.constant 16 : i32
      %mul3A_427 = arith.muli %sub3A_425, %mul3A_426 : i32
      %add3A_428 = vector.broadcast %mul3A_427 : i32 to vector<16xi32>
      %add3A_429 = arith.addi %add3A_428, %iota3A : vector<16xi32>
      %mul3A_430 = arith.constant 16 : i32
      %mul3A_431 = arith.muli %select_n3A_422, %mul3A_430 : i32
      %multiple_of3A = tpu.assume_multiple %mul3A_431, 16 : i32
      %get3A_432 = arith.index_cast %multiple_of3A : i32 to index
      %get3A_433 = tpu.vector_load %arg14[%get3A_432] {strides = array<i32>} : memref<128xi32, #tpu.memory_space<vmem>>, vector<16xi32>,
      %gather3A = tpu.vector_load_idx %arg9[%add3A_429, %get3A_433] : memref<512x8xf32, #tpu.memory_space<vmem>>[vector<16xi32>, vector<16xi32>], vector<16xf32>,
      %eq3A_434 = arith.cmpf oeq, %gather3A, %gather3A : vector<16xf32>
      %jit3A_435 = arith.constant 0.000000e+00 : f32
      %broadcast_in_dim3A_436 = vector.broadcast %jit3A_435 : f32 to vector<16xf32>
      %select_n3A_437 = arith.select %eq3A_434, %gather3A, %broadcast_in_dim3A_436 : vector<16xi1>, vector<16xf32>
      %convert_element_type3A_438 = arith.fptosi %select_n3A_437 : vector<16xf32> to vector<16xi32>
      %jit3A_439 = arith.constant 32 : i32
      %div3A_440 = arith.divsi %scan3A_403, %jit3A_439 : i32
      %sign3A_441 = arith.constant 0 : i32
      %sign3A_442 = arith.cmpi sgt, %scan3A_403, %sign3A_441 : i32
      %sign3A_443 = arith.extui %sign3A_442 : i1 to i32
      %sign3A_444 = arith.constant 0 : i32
      %sign3A_445 = arith.cmpi slt, %scan3A_403, %sign3A_444 : i32
      %sign3A_446 = arith.extui %sign3A_445 : i1 to i32
      %sign3A_447 = arith.subi %sign3A_443, %sign3A_446 : i32
      %sign3A_448 = arith.constant 0 : i32
      %sign3A_449 = arith.cmpi sgt, %jit3A_439, %sign3A_448 : i32
      %sign3A_450 = arith.extui %sign3A_449 : i1 to i32
      %sign3A_451 = arith.constant 0 : i32
      %sign3A_452 = arith.cmpi slt, %jit3A_439, %sign3A_451 : i32
      %sign3A_453 = arith.extui %sign3A_452 : i1 to i32
      %sign3A_454 = arith.subi %sign3A_450, %sign3A_453 : i32
      %ne3A_455 = arith.cmpi ne, %sign3A_447, %sign3A_454 : i32
      %rem3A_456 = arith.remsi %scan3A_403, %jit3A_439 : i32
      %ne3A_457 = arith.constant 0 : i32
      %ne3A_458 = arith.cmpi ne, %rem3A_456, %ne3A_457 : i32
      %and3A_459 = arith.andi %ne3A_455, %ne3A_458 : i1
      %sub3A_460 = arith.constant 1 : i32
      %sub3A_461 = arith.subi %div3A_440, %sub3A_460 : i32
      %select_n3A_462 = arith.select %and3A_459, %sub3A_461, %div3A_440 : i32
      %mul3A_463 = arith.constant 32 : i32
      %mul3A_464 = arith.muli %select_n3A_462, %mul3A_463 : i32
      %sub3A_465 = arith.subi %scan3A_403, %mul3A_464 : i32
      %mul3A_466 = arith.constant 16 : i32
      %mul3A_467 = arith.muli %sub3A_465, %mul3A_466 : i32
      %multiple_of3A_468 = tpu.assume_multiple %mul3A_467, 16 : i32
      %swap3A = arith.index_cast %select_n3A_462 : i32 to index
      %swap3A_469 = arith.index_cast %multiple_of3A_468 : i32 to index
      %swap3A_470 = tpu.vector_load %arg10[%swap3A, %swap3A_469] {strides = array<i32>} : memref<8x512xi32, #tpu.memory_space<vmem>>, vector<16xi32>,
      tpu.vector_store %arg10[%swap3A, %swap3A_469], %convert_element_type3A_438 {strides = array<i32>} : memref<8x512xi32, #tpu.memory_space<vmem>>, vector<16xi32>,
      %scan3A_471 = arith.constant 0 : i32
      scf.yield %scan3A_471 : i32
    }
    %scan3A_86 = arith.constant 32 : i32
    %dma_start3A_87 = arith.constant 3 : i32
    %dma_start3A_88 = arith.constant 3 : i32
    %dma_start3A_89 = arith.constant 1536 : i32
    %dma_start3A_90 = tpu.memref_slice %arg11[%dma_start3A_89] : memref<4096xf32, #tpu.memory_space<vmem>> -> memref<512xf32, #tpu.memory_space<vmem>>
    %dma_start3A_91 = arith.constant 0 : i32
    %dma_start3A_92 = tpu.memref_slice %arg10[%dma_start3A_88, %dma_start3A_91] : memref<8x512xi32, #tpu.memory_space<vmem>> -> memref<1x512xi32, #tpu.memory_space<vmem>>
    %dma_start3A_93 = tpu.memref_squeeze %dma_start3A_92 : memref<1x512xi32, #tpu.memory_space<vmem>> -> memref<512xi32, #tpu.memory_space<vmem>>
    %dma_start3A_94 = arith.constant 0 : i32
    %dma_start3A_95 = tpu.memref_slice %arg4[%dma_start3A_87, %dma_start3A_94] : memref<8x1000000xf32, #tpu.memory_space<hbm>> -> memref<1x1000000xf32, #tpu.memory_space<hbm>>
    %dma_start3A_96 = tpu.memref_squeeze %dma_start3A_95 : memref<1x1000000xf32, #tpu.memory_space<hbm>> -> memref<1000000xf32, #tpu.memory_space<hbm>>
    %dma_start3A_97 = arith.constant 0 : i32
    %dma_start3A_98 = tpu.memref_slice %dma_start3A_96[%dma_start3A_97] : memref<1000000xf32, #tpu.memory_space<hbm>> -> memref<1000000xf32, #tpu.memory_space<hbm>>
    tpu.enqueue_indirect_dma source(%dma_start3A_98 : memref<1000000xf32, #tpu.memory_space<hbm>>) target(%dma_start3A_90 : memref<512xf32, #tpu.memory_space<vmem>>) offsets(%dma_start3A_93 : memref<512xi32, #tpu.memory_space<vmem>>) semaphore(%arg17 : memref<!tpu.dma_semaphore, #tpu.memory_space<semaphore_mem>>)
    %scan3A_99 = arith.constant 0 : i32
    %scan3A_100 = arith.constant 128 : i32
    %scan3A_101 = arith.constant 32 : i32
    %scan3A_102 = arith.addi %scan3A_100, %scan3A_101 : i32
    %scan3A_103 = arith.constant 1 : i32
    %scan3A_104 = scf.for %scan3A_403 = %scan3A_100 to %scan3A_102 step %scan3A_103 iter_args(%scan3A_404 = %scan3A_99) -> (i32)  : i32 {
      %jit3A_405 = arith.constant 32 : i32
      %div3A = arith.divsi %scan3A_403, %jit3A_405 : i32
      %sign3A = arith.constant 0 : i32
      %sign3A_406 = arith.cmpi sgt, %scan3A_403, %sign3A : i32
      %sign3A_407 = arith.extui %sign3A_406 : i1 to i32
      %sign3A_408 = arith.constant 0 : i32
      %sign3A_409 = arith.cmpi slt, %scan3A_403, %sign3A_408 : i32
      %sign3A_410 = arith.extui %sign3A_409 : i1 to i32
      %sign3A_411 = arith.subi %sign3A_407, %sign3A_410 : i32
      %sign3A_412 = arith.constant 0 : i32
      %sign3A_413 = arith.cmpi sgt, %jit3A_405, %sign3A_412 : i32
      %sign3A_414 = arith.extui %sign3A_413 : i1 to i32
      %sign3A_415 = arith.constant 0 : i32
      %sign3A_416 = arith.cmpi slt, %jit3A_405, %sign3A_415 : i32
      %sign3A_417 = arith.extui %sign3A_416 : i1 to i32
      %sign3A_418 = arith.subi %sign3A_414, %sign3A_417 : i32
      %ne3A = arith.cmpi ne, %sign3A_411, %sign3A_418 : i32
      %rem3A = arith.remsi %scan3A_403, %jit3A_405 : i32
      %ne3A_419 = arith.constant 0 : i32
      %ne3A_420 = arith.cmpi ne, %rem3A, %ne3A_419 : i32
      %and3A = arith.andi %ne3A, %ne3A_420 : i1
      %sub3A = arith.constant 1 : i32
      %sub3A_421 = arith.subi %div3A, %sub3A : i32
      %select_n3A_422 = arith.select %and3A, %sub3A_421, %div3A : i32
      %mul3A_423 = arith.constant 32 : i32
      %mul3A_424 = arith.muli %select_n3A_422, %mul3A_423 : i32
      %sub3A_425 = arith.subi %scan3A_403, %mul3A_424 : i32
      %mul3A_426 = arith.constant 16 : i32
      %mul3A_427 = arith.muli %sub3A_425, %mul3A_426 : i32
      %add3A_428 = vector.broadcast %mul3A_427 : i32 to vector<16xi32>
      %add3A_429 = arith.addi %add3A_428, %iota3A : vector<16xi32>
      %mul3A_430 = arith.constant 16 : i32
      %mul3A_431 = arith.muli %select_n3A_422, %mul3A_430 : i32
      %multiple_of3A = tpu.assume_multiple %mul3A_431, 16 : i32
      %get3A_432 = arith.index_cast %multiple_of3A : i32 to index
      %get3A_433 = tpu.vector_load %arg14[%get3A_432] {strides = array<i32>} : memref<128xi32, #tpu.memory_space<vmem>>, vector<16xi32>,
      %gather3A = tpu.vector_load_idx %arg9[%add3A_429, %get3A_433] : memref<512x8xf32, #tpu.memory_space<vmem>>[vector<16xi32>, vector<16xi32>], vector<16xf32>,
      %eq3A_434 = arith.cmpf oeq, %gather3A, %gather3A : vector<16xf32>
      %jit3A_435 = arith.constant 0.000000e+00 : f32
      %broadcast_in_dim3A_436 = vector.broadcast %jit3A_435 : f32 to vector<16xf32>
      %select_n3A_437 = arith.select %eq3A_434, %gather3A, %broadcast_in_dim3A_436 : vector<16xi1>, vector<16xf32>
      %convert_element_type3A_438 = arith.fptosi %select_n3A_437 : vector<16xf32> to vector<16xi32>
      %jit3A_439 = arith.constant 32 : i32
      %div3A_440 = arith.divsi %scan3A_403, %jit3A_439 : i32
      %sign3A_441 = arith.constant 0 : i32
      %sign3A_442 = arith.cmpi sgt, %scan3A_403, %sign3A_441 : i32
      %sign3A_443 = arith.extui %sign3A_442 : i1 to i32
      %sign3A_444 = arith.constant 0 : i32
      %sign3A_445 = arith.cmpi slt, %scan3A_403, %sign3A_444 : i32
      %sign3A_446 = arith.extui %sign3A_445 : i1 to i32
      %sign3A_447 = arith.subi %sign3A_443, %sign3A_446 : i32
      %sign3A_448 = arith.constant 0 : i32
      %sign3A_449 = arith.cmpi sgt, %jit3A_439, %sign3A_448 : i32
      %sign3A_450 = arith.extui %sign3A_449 : i1 to i32
      %sign3A_451 = arith.constant 0 : i32
      %sign3A_452 = arith.cmpi slt, %jit3A_439, %sign3A_451 : i32
      %sign3A_453 = arith.extui %sign3A_452 : i1 to i32
      %sign3A_454 = arith.subi %sign3A_450, %sign3A_453 : i32
      %ne3A_455 = arith.cmpi ne, %sign3A_447, %sign3A_454 : i32
      %rem3A_456 = arith.remsi %scan3A_403, %jit3A_439 : i32
      %ne3A_457 = arith.constant 0 : i32
      %ne3A_458 = arith.cmpi ne, %rem3A_456, %ne3A_457 : i32
      %and3A_459 = arith.andi %ne3A_455, %ne3A_458 : i1
      %sub3A_460 = arith.constant 1 : i32
      %sub3A_461 = arith.subi %div3A_440, %sub3A_460 : i32
      %select_n3A_462 = arith.select %and3A_459, %sub3A_461, %div3A_440 : i32
      %mul3A_463 = arith.constant 32 : i32
      %mul3A_464 = arith.muli %select_n3A_462, %mul3A_463 : i32
      %sub3A_465 = arith.subi %scan3A_403, %mul3A_464 : i32
      %mul3A_466 = arith.constant 16 : i32
      %mul3A_467 = arith.muli %sub3A_465, %mul3A_466 : i32
      %multiple_of3A_468 = tpu.assume_multiple %mul3A_467, 16 : i32
      %swap3A = arith.index_cast %select_n3A_462 : i32 to index
      %swap3A_469 = arith.index_cast %multiple_of3A_468 : i32 to index
      %swap3A_470 = tpu.vector_load %arg10[%swap3A, %swap3A_469] {strides = array<i32>} : memref<8x512xi32, #tpu.memory_space<vmem>>, vector<16xi32>,
      tpu.vector_store %arg10[%swap3A, %swap3A_469], %convert_element_type3A_438 {strides = array<i32>} : memref<8x512xi32, #tpu.memory_space<vmem>>, vector<16xi32>,
      %scan3A_471 = arith.constant 0 : i32
      scf.yield %scan3A_471 : i32
    }
    %scan3A_105 = arith.constant 32 : i32
    %dma_start3A_106 = arith.constant 4 : i32
    %dma_start3A_107 = arith.constant 4 : i32
    %dma_start3A_108 = arith.constant 2048 : i32
    %dma_start3A_109 = tpu.memref_slice %arg11[%dma_start3A_108] : memref<4096xf32, #tpu.memory_space<vmem>> -> memref<512xf32, #tpu.memory_space<vmem>>
    %dma_start3A_110 = arith.constant 0 : i32
    %dma_start3A_111 = tpu.memref_slice %arg10[%dma_start3A_107, %dma_start3A_110] : memref<8x512xi32, #tpu.memory_space<vmem>> -> memref<1x512xi32, #tpu.memory_space<vmem>>
    %dma_start3A_112 = tpu.memref_squeeze %dma_start3A_111 : memref<1x512xi32, #tpu.memory_space<vmem>> -> memref<512xi32, #tpu.memory_space<vmem>>
    %dma_start3A_113 = arith.constant 0 : i32
    %dma_start3A_114 = tpu.memref_slice %arg4[%dma_start3A_106, %dma_start3A_113] : memref<8x1000000xf32, #tpu.memory_space<hbm>> -> memref<1x1000000xf32, #tpu.memory_space<hbm>>
    %dma_start3A_115 = tpu.memref_squeeze %dma_start3A_114 : memref<1x1000000xf32, #tpu.memory_space<hbm>> -> memref<1000000xf32, #tpu.memory_space<hbm>>
    %dma_start3A_116 = arith.constant 0 : i32
    %dma_start3A_117 = tpu.memref_slice %dma_start3A_115[%dma_start3A_116] : memref<1000000xf32, #tpu.memory_space<hbm>> -> memref<1000000xf32, #tpu.memory_space<hbm>>
    tpu.enqueue_indirect_dma source(%dma_start3A_117 : memref<1000000xf32, #tpu.memory_space<hbm>>) target(%dma_start3A_109 : memref<512xf32, #tpu.memory_space<vmem>>) offsets(%dma_start3A_112 : memref<512xi32, #tpu.memory_space<vmem>>) semaphore(%arg17 : memref<!tpu.dma_semaphore, #tpu.memory_space<semaphore_mem>>)
    %scan3A_118 = arith.constant 0 : i32
    %scan3A_119 = arith.constant 160 : i32
    %scan3A_120 = arith.constant 32 : i32
    %scan3A_121 = arith.addi %scan3A_119, %scan3A_120 : i32
    %scan3A_122 = arith.constant 1 : i32
    %scan3A_123 = scf.for %scan3A_403 = %scan3A_119 to %scan3A_121 step %scan3A_122 iter_args(%scan3A_404 = %scan3A_118) -> (i32)  : i32 {
      %jit3A_405 = arith.constant 32 : i32
      %div3A = arith.divsi %scan3A_403, %jit3A_405 : i32
      %sign3A = arith.constant 0 : i32
      %sign3A_406 = arith.cmpi sgt, %scan3A_403, %sign3A : i32
      %sign3A_407 = arith.extui %sign3A_406 : i1 to i32
      %sign3A_408 = arith.constant 0 : i32
      %sign3A_409 = arith.cmpi slt, %scan3A_403, %sign3A_408 : i32
      %sign3A_410 = arith.extui %sign3A_409 : i1 to i32
      %sign3A_411 = arith.subi %sign3A_407, %sign3A_410 : i32
      %sign3A_412 = arith.constant 0 : i32
      %sign3A_413 = arith.cmpi sgt, %jit3A_405, %sign3A_412 : i32
      %sign3A_414 = arith.extui %sign3A_413 : i1 to i32
      %sign3A_415 = arith.constant 0 : i32
      %sign3A_416 = arith.cmpi slt, %jit3A_405, %sign3A_415 : i32
      %sign3A_417 = arith.extui %sign3A_416 : i1 to i32
      %sign3A_418 = arith.subi %sign3A_414, %sign3A_417 : i32
      %ne3A = arith.cmpi ne, %sign3A_411, %sign3A_418 : i32
      %rem3A = arith.remsi %scan3A_403, %jit3A_405 : i32
      %ne3A_419 = arith.constant 0 : i32
      %ne3A_420 = arith.cmpi ne, %rem3A, %ne3A_419 : i32
      %and3A = arith.andi %ne3A, %ne3A_420 : i1
      %sub3A = arith.constant 1 : i32
      %sub3A_421 = arith.subi %div3A, %sub3A : i32
      %select_n3A_422 = arith.select %and3A, %sub3A_421, %div3A : i32
      %mul3A_423 = arith.constant 32 : i32
      %mul3A_424 = arith.muli %select_n3A_422, %mul3A_423 : i32
      %sub3A_425 = arith.subi %scan3A_403, %mul3A_424 : i32
      %mul3A_426 = arith.constant 16 : i32
      %mul3A_427 = arith.muli %sub3A_425, %mul3A_426 : i32
      %add3A_428 = vector.broadcast %mul3A_427 : i32 to vector<16xi32>
      %add3A_429 = arith.addi %add3A_428, %iota3A : vector<16xi32>
      %mul3A_430 = arith.constant 16 : i32
      %mul3A_431 = arith.muli %select_n3A_422, %mul3A_430 : i32
      %multiple_of3A = tpu.assume_multiple %mul3A_431, 16 : i32
      %get3A_432 = arith.index_cast %multiple_of3A : i32 to index
      %get3A_433 = tpu.vector_load %arg14[%get3A_432] {strides = array<i32>} : memref<128xi32, #tpu.memory_space<vmem>>, vector<16xi32>,
      %gather3A = tpu.vector_load_idx %arg9[%add3A_429, %get3A_433] : memref<512x8xf32, #tpu.memory_space<vmem>>[vector<16xi32>, vector<16xi32>], vector<16xf32>,
      %eq3A_434 = arith.cmpf oeq, %gather3A, %gather3A : vector<16xf32>
      %jit3A_435 = arith.constant 0.000000e+00 : f32
      %broadcast_in_dim3A_436 = vector.broadcast %jit3A_435 : f32 to vector<16xf32>
      %select_n3A_437 = arith.select %eq3A_434, %gather3A, %broadcast_in_dim3A_436 : vector<16xi1>, vector<16xf32>
      %convert_element_type3A_438 = arith.fptosi %select_n3A_437 : vector<16xf32> to vector<16xi32>
      %jit3A_439 = arith.constant 32 : i32
      %div3A_440 = arith.divsi %scan3A_403, %jit3A_439 : i32
      %sign3A_441 = arith.constant 0 : i32
      %sign3A_442 = arith.cmpi sgt, %scan3A_403, %sign3A_441 : i32
      %sign3A_443 = arith.extui %sign3A_442 : i1 to i32
      %sign3A_444 = arith.constant 0 : i32
      %sign3A_445 = arith.cmpi slt, %scan3A_403, %sign3A_444 : i32
      %sign3A_446 = arith.extui %sign3A_445 : i1 to i32
      %sign3A_447 = arith.subi %sign3A_443, %sign3A_446 : i32
      %sign3A_448 = arith.constant 0 : i32
      %sign3A_449 = arith.cmpi sgt, %jit3A_439, %sign3A_448 : i32
      %sign3A_450 = arith.extui %sign3A_449 : i1 to i32
      %sign3A_451 = arith.constant 0 : i32
      %sign3A_452 = arith.cmpi slt, %jit3A_439, %sign3A_451 : i32
      %sign3A_453 = arith.extui %sign3A_452 : i1 to i32
      %sign3A_454 = arith.subi %sign3A_450, %sign3A_453 : i32
      %ne3A_455 = arith.cmpi ne, %sign3A_447, %sign3A_454 : i32
      %rem3A_456 = arith.remsi %scan3A_403, %jit3A_439 : i32
      %ne3A_457 = arith.constant 0 : i32
      %ne3A_458 = arith.cmpi ne, %rem3A_456, %ne3A_457 : i32
      %and3A_459 = arith.andi %ne3A_455, %ne3A_458 : i1
      %sub3A_460 = arith.constant 1 : i32
      %sub3A_461 = arith.subi %div3A_440, %sub3A_460 : i32
      %select_n3A_462 = arith.select %and3A_459, %sub3A_461, %div3A_440 : i32
      %mul3A_463 = arith.constant 32 : i32
      %mul3A_464 = arith.muli %select_n3A_462, %mul3A_463 : i32
      %sub3A_465 = arith.subi %scan3A_403, %mul3A_464 : i32
      %mul3A_466 = arith.constant 16 : i32
      %mul3A_467 = arith.muli %sub3A_465, %mul3A_466 : i32
      %multiple_of3A_468 = tpu.assume_multiple %mul3A_467, 16 : i32
      %swap3A = arith.index_cast %select_n3A_462 : i32 to index
      %swap3A_469 = arith.index_cast %multiple_of3A_468 : i32 to index
      %swap3A_470 = tpu.vector_load %arg10[%swap3A, %swap3A_469] {strides = array<i32>} : memref<8x512xi32, #tpu.memory_space<vmem>>, vector<16xi32>,
      tpu.vector_store %arg10[%swap3A, %swap3A_469], %convert_element_type3A_438 {strides = array<i32>} : memref<8x512xi32, #tpu.memory_space<vmem>>, vector<16xi32>,
      %scan3A_471 = arith.constant 0 : i32
      scf.yield %scan3A_471 : i32
    }
    %scan3A_124 = arith.constant 32 : i32
    %dma_start3A_125 = arith.constant 5 : i32
    %dma_start3A_126 = arith.constant 5 : i32
    %dma_start3A_127 = arith.constant 2560 : i32
    %dma_start3A_128 = tpu.memref_slice %arg11[%dma_start3A_127] : memref<4096xf32, #tpu.memory_space<vmem>> -> memref<512xf32, #tpu.memory_space<vmem>>
    %dma_start3A_129 = arith.constant 0 : i32
    %dma_start3A_130 = tpu.memref_slice %arg10[%dma_start3A_126, %dma_start3A_129] : memref<8x512xi32, #tpu.memory_space<vmem>> -> memref<1x512xi32, #tpu.memory_space<vmem>>
    %dma_start3A_131 = tpu.memref_squeeze %dma_start3A_130 : memref<1x512xi32, #tpu.memory_space<vmem>> -> memref<512xi32, #tpu.memory_space<vmem>>
    %dma_start3A_132 = arith.constant 0 : i32
    %dma_start3A_133 = tpu.memref_slice %arg4[%dma_start3A_125, %dma_start3A_132] : memref<8x1000000xf32, #tpu.memory_space<hbm>> -> memref<1x1000000xf32, #tpu.memory_space<hbm>>
    %dma_start3A_134 = tpu.memref_squeeze %dma_start3A_133 : memref<1x1000000xf32, #tpu.memory_space<hbm>> -> memref<1000000xf32, #tpu.memory_space<hbm>>
    %dma_start3A_135 = arith.constant 0 : i32
    %dma_start3A_136 = tpu.memref_slice %dma_start3A_134[%dma_start3A_135] : memref<1000000xf32, #tpu.memory_space<hbm>> -> memref<1000000xf32, #tpu.memory_space<hbm>>
    tpu.enqueue_indirect_dma source(%dma_start3A_136 : memref<1000000xf32, #tpu.memory_space<hbm>>) target(%dma_start3A_128 : memref<512xf32, #tpu.memory_space<vmem>>) offsets(%dma_start3A_131 : memref<512xi32, #tpu.memory_space<vmem>>) semaphore(%arg17 : memref<!tpu.dma_semaphore, #tpu.memory_space<semaphore_mem>>)
    %scan3A_137 = arith.constant 0 : i32
    %scan3A_138 = arith.constant 192 : i32
    %scan3A_139 = arith.constant 32 : i32
    %scan3A_140 = arith.addi %scan3A_138, %scan3A_139 : i32
    %scan3A_141 = arith.constant 1 : i32
    %scan3A_142 = scf.for %scan3A_403 = %scan3A_138 to %scan3A_140 step %scan3A_141 iter_args(%scan3A_404 = %scan3A_137) -> (i32)  : i32 {
      %jit3A_405 = arith.constant 32 : i32
      %div3A = arith.divsi %scan3A_403, %jit3A_405 : i32
      %sign3A = arith.constant 0 : i32
      %sign3A_406 = arith.cmpi sgt, %scan3A_403, %sign3A : i32
      %sign3A_407 = arith.extui %sign3A_406 : i1 to i32
      %sign3A_408 = arith.constant 0 : i32
      %sign3A_409 = arith.cmpi slt, %scan3A_403, %sign3A_408 : i32
      %sign3A_410 = arith.extui %sign3A_409 : i1 to i32
      %sign3A_411 = arith.subi %sign3A_407, %sign3A_410 : i32
      %sign3A_412 = arith.constant 0 : i32
      %sign3A_413 = arith.cmpi sgt, %jit3A_405, %sign3A_412 : i32
      %sign3A_414 = arith.extui %sign3A_413 : i1 to i32
      %sign3A_415 = arith.constant 0 : i32
      %sign3A_416 = arith.cmpi slt, %jit3A_405, %sign3A_415 : i32
      %sign3A_417 = arith.extui %sign3A_416 : i1 to i32
      %sign3A_418 = arith.subi %sign3A_414, %sign3A_417 : i32
      %ne3A = arith.cmpi ne, %sign3A_411, %sign3A_418 : i32
      %rem3A = arith.remsi %scan3A_403, %jit3A_405 : i32
      %ne3A_419 = arith.constant 0 : i32
      %ne3A_420 = arith.cmpi ne, %rem3A, %ne3A_419 : i32
      %and3A = arith.andi %ne3A, %ne3A_420 : i1
      %sub3A = arith.constant 1 : i32
      %sub3A_421 = arith.subi %div3A, %sub3A : i32
      %select_n3A_422 = arith.select %and3A, %sub3A_421, %div3A : i32
      %mul3A_423 = arith.constant 32 : i32
      %mul3A_424 = arith.muli %select_n3A_422, %mul3A_423 : i32
      %sub3A_425 = arith.subi %scan3A_403, %mul3A_424 : i32
      %mul3A_426 = arith.constant 16 : i32
      %mul3A_427 = arith.muli %sub3A_425, %mul3A_426 : i32
      %add3A_428 = vector.broadcast %mul3A_427 : i32 to vector<16xi32>
      %add3A_429 = arith.addi %add3A_428, %iota3A : vector<16xi32>
      %mul3A_430 = arith.constant 16 : i32
      %mul3A_431 = arith.muli %select_n3A_422, %mul3A_430 : i32
      %multiple_of3A = tpu.assume_multiple %mul3A_431, 16 : i32
      %get3A_432 = arith.index_cast %multiple_of3A : i32 to index
      %get3A_433 = tpu.vector_load %arg14[%get3A_432] {strides = array<i32>} : memref<128xi32, #tpu.memory_space<vmem>>, vector<16xi32>,
      %gather3A = tpu.vector_load_idx %arg9[%add3A_429, %get3A_433] : memref<512x8xf32, #tpu.memory_space<vmem>>[vector<16xi32>, vector<16xi32>], vector<16xf32>,
      %eq3A_434 = arith.cmpf oeq, %gather3A, %gather3A : vector<16xf32>
      %jit3A_435 = arith.constant 0.000000e+00 : f32
      %broadcast_in_dim3A_436 = vector.broadcast %jit3A_435 : f32 to vector<16xf32>
      %select_n3A_437 = arith.select %eq3A_434, %gather3A, %broadcast_in_dim3A_436 : vector<16xi1>, vector<16xf32>
      %convert_element_type3A_438 = arith.fptosi %select_n3A_437 : vector<16xf32> to vector<16xi32>
      %jit3A_439 = arith.constant 32 : i32
      %div3A_440 = arith.divsi %scan3A_403, %jit3A_439 : i32
      %sign3A_441 = arith.constant 0 : i32
      %sign3A_442 = arith.cmpi sgt, %scan3A_403, %sign3A_441 : i32
      %sign3A_443 = arith.extui %sign3A_442 : i1 to i32
      %sign3A_444 = arith.constant 0 : i32
      %sign3A_445 = arith.cmpi slt, %scan3A_403, %sign3A_444 : i32
      %sign3A_446 = arith.extui %sign3A_445 : i1 to i32
      %sign3A_447 = arith.subi %sign3A_443, %sign3A_446 : i32
      %sign3A_448 = arith.constant 0 : i32
      %sign3A_449 = arith.cmpi sgt, %jit3A_439, %sign3A_448 : i32
      %sign3A_450 = arith.extui %sign3A_449 : i1 to i32
      %sign3A_451 = arith.constant 0 : i32
      %sign3A_452 = arith.cmpi slt, %jit3A_439, %sign3A_451 : i32
      %sign3A_453 = arith.extui %sign3A_452 : i1 to i32
      %sign3A_454 = arith.subi %sign3A_450, %sign3A_453 : i32
      %ne3A_455 = arith.cmpi ne, %sign3A_447, %sign3A_454 : i32
      %rem3A_456 = arith.remsi %scan3A_403, %jit3A_439 : i32
      %ne3A_457 = arith.constant 0 : i32
      %ne3A_458 = arith.cmpi ne, %rem3A_456, %ne3A_457 : i32
      %and3A_459 = arith.andi %ne3A_455, %ne3A_458 : i1
      %sub3A_460 = arith.constant 1 : i32
      %sub3A_461 = arith.subi %div3A_440, %sub3A_460 : i32
      %select_n3A_462 = arith.select %and3A_459, %sub3A_461, %div3A_440 : i32
      %mul3A_463 = arith.constant 32 : i32
      %mul3A_464 = arith.muli %select_n3A_462, %mul3A_463 : i32
      %sub3A_465 = arith.subi %scan3A_403, %mul3A_464 : i32
      %mul3A_466 = arith.constant 16 : i32
      %mul3A_467 = arith.muli %sub3A_465, %mul3A_466 : i32
      %multiple_of3A_468 = tpu.assume_multiple %mul3A_467, 16 : i32
      %swap3A = arith.index_cast %select_n3A_462 : i32 to index
      %swap3A_469 = arith.index_cast %multiple_of3A_468 : i32 to index
      %swap3A_470 = tpu.vector_load %arg10[%swap3A, %swap3A_469] {strides = array<i32>} : memref<8x512xi32, #tpu.memory_space<vmem>>, vector<16xi32>,
      tpu.vector_store %arg10[%swap3A, %swap3A_469], %convert_element_type3A_438 {strides = array<i32>} : memref<8x512xi32, #tpu.memory_space<vmem>>, vector<16xi32>,
      %scan3A_471 = arith.constant 0 : i32
      scf.yield %scan3A_471 : i32
    }
    %scan3A_143 = arith.constant 32 : i32
    %dma_start3A_144 = arith.constant 6 : i32
    %dma_start3A_145 = arith.constant 6 : i32
    %dma_start3A_146 = arith.constant 3072 : i32
    %dma_start3A_147 = tpu.memref_slice %arg11[%dma_start3A_146] : memref<4096xf32, #tpu.memory_space<vmem>> -> memref<512xf32, #tpu.memory_space<vmem>>
    %dma_start3A_148 = arith.constant 0 : i32
    %dma_start3A_149 = tpu.memref_slice %arg10[%dma_start3A_145, %dma_start3A_148] : memref<8x512xi32, #tpu.memory_space<vmem>> -> memref<1x512xi32, #tpu.memory_space<vmem>>
    %dma_start3A_150 = tpu.memref_squeeze %dma_start3A_149 : memref<1x512xi32, #tpu.memory_space<vmem>> -> memref<512xi32, #tpu.memory_space<vmem>>
    %dma_start3A_151 = arith.constant 0 : i32
    %dma_start3A_152 = tpu.memref_slice %arg4[%dma_start3A_144, %dma_start3A_151] : memref<8x1000000xf32, #tpu.memory_space<hbm>> -> memref<1x1000000xf32, #tpu.memory_space<hbm>>
    %dma_start3A_153 = tpu.memref_squeeze %dma_start3A_152 : memref<1x1000000xf32, #tpu.memory_space<hbm>> -> memref<1000000xf32, #tpu.memory_space<hbm>>
    %dma_start3A_154 = arith.constant 0 : i32
    %dma_start3A_155 = tpu.memref_slice %dma_start3A_153[%dma_start3A_154] : memref<1000000xf32, #tpu.memory_space<hbm>> -> memref<1000000xf32, #tpu.memory_space<hbm>>
    tpu.enqueue_indirect_dma source(%dma_start3A_155 : memref<1000000xf32, #tpu.memory_space<hbm>>) target(%dma_start3A_147 : memref<512xf32, #tpu.memory_space<vmem>>) offsets(%dma_start3A_150 : memref<512xi32, #tpu.memory_space<vmem>>) semaphore(%arg17 : memref<!tpu.dma_semaphore, #tpu.memory_space<semaphore_mem>>)
    %scan3A_156 = arith.constant 0 : i32
    %scan3A_157 = arith.constant 224 : i32
    %scan3A_158 = arith.constant 32 : i32
    %scan3A_159 = arith.addi %scan3A_157, %scan3A_158 : i32
    %scan3A_160 = arith.constant 1 : i32
    %scan3A_161 = scf.for %scan3A_403 = %scan3A_157 to %scan3A_159 step %scan3A_160 iter_args(%scan3A_404 = %scan3A_156) -> (i32)  : i32 {
      %jit3A_405 = arith.constant 32 : i32
      %div3A = arith.divsi %scan3A_403, %jit3A_405 : i32
      %sign3A = arith.constant 0 : i32
      %sign3A_406 = arith.cmpi sgt, %scan3A_403, %sign3A : i32
      %sign3A_407 = arith.extui %sign3A_406 : i1 to i32
      %sign3A_408 = arith.constant 0 : i32
      %sign3A_409 = arith.cmpi slt, %scan3A_403, %sign3A_408 : i32
      %sign3A_410 = arith.extui %sign3A_409 : i1 to i32
      %sign3A_411 = arith.subi %sign3A_407, %sign3A_410 : i32
      %sign3A_412 = arith.constant 0 : i32
      %sign3A_413 = arith.cmpi sgt, %jit3A_405, %sign3A_412 : i32
      %sign3A_414 = arith.extui %sign3A_413 : i1 to i32
      %sign3A_415 = arith.constant 0 : i32
      %sign3A_416 = arith.cmpi slt, %jit3A_405, %sign3A_415 : i32
      %sign3A_417 = arith.extui %sign3A_416 : i1 to i32
      %sign3A_418 = arith.subi %sign3A_414, %sign3A_417 : i32
      %ne3A = arith.cmpi ne, %sign3A_411, %sign3A_418 : i32
      %rem3A = arith.remsi %scan3A_403, %jit3A_405 : i32
      %ne3A_419 = arith.constant 0 : i32
      %ne3A_420 = arith.cmpi ne, %rem3A, %ne3A_419 : i32
      %and3A = arith.andi %ne3A, %ne3A_420 : i1
      %sub3A = arith.constant 1 : i32
      %sub3A_421 = arith.subi %div3A, %sub3A : i32
      %select_n3A_422 = arith.select %and3A, %sub3A_421, %div3A : i32
      %mul3A_423 = arith.constant 32 : i32
      %mul3A_424 = arith.muli %select_n3A_422, %mul3A_423 : i32
      %sub3A_425 = arith.subi %scan3A_403, %mul3A_424 : i32
      %mul3A_426 = arith.constant 16 : i32
      %mul3A_427 = arith.muli %sub3A_425, %mul3A_426 : i32
      %add3A_428 = vector.broadcast %mul3A_427 : i32 to vector<16xi32>
      %add3A_429 = arith.addi %add3A_428, %iota3A : vector<16xi32>
      %mul3A_430 = arith.constant 16 : i32
      %mul3A_431 = arith.muli %select_n3A_422, %mul3A_430 : i32
      %multiple_of3A = tpu.assume_multiple %mul3A_431, 16 : i32
      %get3A_432 = arith.index_cast %multiple_of3A : i32 to index
      %get3A_433 = tpu.vector_load %arg14[%get3A_432] {strides = array<i32>} : memref<128xi32, #tpu.memory_space<vmem>>, vector<16xi32>,
      %gather3A = tpu.vector_load_idx %arg9[%add3A_429, %get3A_433] : memref<512x8xf32, #tpu.memory_space<vmem>>[vector<16xi32>, vector<16xi32>], vector<16xf32>,
      %eq3A_434 = arith.cmpf oeq, %gather3A, %gather3A : vector<16xf32>
      %jit3A_435 = arith.constant 0.000000e+00 : f32
      %broadcast_in_dim3A_436 = vector.broadcast %jit3A_435 : f32 to vector<16xf32>
      %select_n3A_437 = arith.select %eq3A_434, %gather3A, %broadcast_in_dim3A_436 : vector<16xi1>, vector<16xf32>
      %convert_element_type3A_438 = arith.fptosi %select_n3A_437 : vector<16xf32> to vector<16xi32>
      %jit3A_439 = arith.constant 32 : i32
      %div3A_440 = arith.divsi %scan3A_403, %jit3A_439 : i32
      %sign3A_441 = arith.constant 0 : i32
      %sign3A_442 = arith.cmpi sgt, %scan3A_403, %sign3A_441 : i32
      %sign3A_443 = arith.extui %sign3A_442 : i1 to i32
      %sign3A_444 = arith.constant 0 : i32
      %sign3A_445 = arith.cmpi slt, %scan3A_403, %sign3A_444 : i32
      %sign3A_446 = arith.extui %sign3A_445 : i1 to i32
      %sign3A_447 = arith.subi %sign3A_443, %sign3A_446 : i32
      %sign3A_448 = arith.constant 0 : i32
      %sign3A_449 = arith.cmpi sgt, %jit3A_439, %sign3A_448 : i32
      %sign3A_450 = arith.extui %sign3A_449 : i1 to i32
      %sign3A_451 = arith.constant 0 : i32
      %sign3A_452 = arith.cmpi slt, %jit3A_439, %sign3A_451 : i32
      %sign3A_453 = arith.extui %sign3A_452 : i1 to i32
      %sign3A_454 = arith.subi %sign3A_450, %sign3A_453 : i32
      %ne3A_455 = arith.cmpi ne, %sign3A_447, %sign3A_454 : i32
      %rem3A_456 = arith.remsi %scan3A_403, %jit3A_439 : i32
      %ne3A_457 = arith.constant 0 : i32
      %ne3A_458 = arith.cmpi ne, %rem3A_456, %ne3A_457 : i32
      %and3A_459 = arith.andi %ne3A_455, %ne3A_458 : i1
      %sub3A_460 = arith.constant 1 : i32
      %sub3A_461 = arith.subi %div3A_440, %sub3A_460 : i32
      %select_n3A_462 = arith.select %and3A_459, %sub3A_461, %div3A_440 : i32
      %mul3A_463 = arith.constant 32 : i32
      %mul3A_464 = arith.muli %select_n3A_462, %mul3A_463 : i32
      %sub3A_465 = arith.subi %scan3A_403, %mul3A_464 : i32
      %mul3A_466 = arith.constant 16 : i32
      %mul3A_467 = arith.muli %sub3A_465, %mul3A_466 : i32
      %multiple_of3A_468 = tpu.assume_multiple %mul3A_467, 16 : i32
      %swap3A = arith.index_cast %select_n3A_462 : i32 to index
      %swap3A_469 = arith.index_cast %multiple_of3A_468 : i32 to index
      %swap3A_470 = tpu.vector_load %arg10[%swap3A, %swap3A_469] {strides = array<i32>} : memref<8x512xi32, #tpu.memory_space<vmem>>, vector<16xi32>,
      tpu.vector_store %arg10[%swap3A, %swap3A_469], %convert_element_type3A_438 {strides = array<i32>} : memref<8x512xi32, #tpu.memory_space<vmem>>, vector<16xi32>,
      %scan3A_471 = arith.constant 0 : i32
      scf.yield %scan3A_471 : i32
    }
    %scan3A_162 = arith.constant 32 : i32
    %dma_start3A_163 = arith.constant 7 : i32
    %dma_start3A_164 = arith.constant 7 : i32
    %dma_start3A_165 = arith.constant 3584 : i32
    %dma_start3A_166 = tpu.memref_slice %arg11[%dma_start3A_165] : memref<4096xf32, #tpu.memory_space<vmem>> -> memref<512xf32, #tpu.memory_space<vmem>>
    %dma_start3A_167 = arith.constant 0 : i32
    %dma_start3A_168 = tpu.memref_slice %arg10[%dma_start3A_164, %dma_start3A_167] : memref<8x512xi32, #tpu.memory_space<vmem>> -> memref<1x512xi32, #tpu.memory_space<vmem>>
    %dma_start3A_169 = tpu.memref_squeeze %dma_start3A_168 : memref<1x512xi32, #tpu.memory_space<vmem>> -> memref<512xi32, #tpu.memory_space<vmem>>
    %dma_start3A_170 = arith.constant 0 : i32
    %dma_start3A_171 = tpu.memref_slice %arg4[%dma_start3A_163, %dma_start3A_170] : memref<8x1000000xf32, #tpu.memory_space<hbm>> -> memref<1x1000000xf32, #tpu.memory_space<hbm>>
    %dma_start3A_172 = tpu.memref_squeeze %dma_start3A_171 : memref<1x1000000xf32, #tpu.memory_space<hbm>> -> memref<1000000xf32, #tpu.memory_space<hbm>>
    %dma_start3A_173 = arith.constant 0 : i32
    %dma_start3A_174 = tpu.memref_slice %dma_start3A_172[%dma_start3A_173] : memref<1000000xf32, #tpu.memory_space<hbm>> -> memref<1000000xf32, #tpu.memory_space<hbm>>
    tpu.enqueue_indirect_dma source(%dma_start3A_174 : memref<1000000xf32, #tpu.memory_space<hbm>>) target(%dma_start3A_166 : memref<512xf32, #tpu.memory_space<vmem>>) offsets(%dma_start3A_169 : memref<512xi32, #tpu.memory_space<vmem>>) semaphore(%arg17 : memref<!tpu.dma_semaphore, #tpu.memory_space<semaphore_mem>>)
    %dma_wait3A_175 = arith.constant 0 : i32
    %dma_wait3A_176 = arith.constant 0 : i32
    %dma_wait3A_177 = arith.constant 0 : i32
    %dma_wait3A_178 = tpu.memref_slice %arg11[%dma_wait3A_177] : memref<4096xf32, #tpu.memory_space<vmem>> -> memref<512xf32, #tpu.memory_space<vmem>>
    %dma_wait3A_179 = arith.constant 0 : i32
    %dma_wait3A_180 = tpu.memref_slice %arg10[%dma_wait3A_176, %dma_wait3A_179] : memref<8x512xi32, #tpu.memory_space<vmem>> -> memref<1x512xi32, #tpu.memory_space<vmem>>
    %dma_wait3A_181 = tpu.memref_squeeze %dma_wait3A_180 : memref<1x512xi32, #tpu.memory_space<vmem>> -> memref<512xi32, #tpu.memory_space<vmem>>
    %dma_wait3A_182 = arith.constant 0 : i32
    %dma_wait3A_183 = tpu.memref_slice %arg4[%dma_wait3A_175, %dma_wait3A_182] : memref<8x1000000xf32, #tpu.memory_space<hbm>> -> memref<1x1000000xf32, #tpu.memory_space<hbm>>
    %dma_wait3A_184 = tpu.memref_squeeze %dma_wait3A_183 : memref<1x1000000xf32, #tpu.memory_space<hbm>> -> memref<1000000xf32, #tpu.memory_space<hbm>>
    %dma_wait3A_185 = arith.constant 0 : i32
    %dma_wait3A_186 = tpu.memref_slice %dma_wait3A_184[%dma_wait3A_185] : memref<1000000xf32, #tpu.memory_space<hbm>> -> memref<1000000xf32, #tpu.memory_space<hbm>>
    tpu.wait_indirect_dma semaphore(%arg17 : memref<!tpu.dma_semaphore, #tpu.memory_space<semaphore_mem>>) src(%dma_wait3A_186 : memref<1000000xf32, #tpu.memory_space<hbm>>) dst(%dma_wait3A_178 : memref<512xf32, #tpu.memory_space<vmem>>)
    %dma_wait3A_187 = arith.constant 1 : i32
    %dma_wait3A_188 = arith.constant 1 : i32
    %dma_wait3A_189 = arith.constant 512 : i32
    %dma_wait3A_190 = tpu.memref_slice %arg11[%dma_wait3A_189] : memref<4096xf32, #tpu.memory_space<vmem>> -> memref<512xf32, #tpu.memory_space<vmem>>
    %dma_wait3A_191 = arith.constant 0 : i32
    %dma_wait3A_192 = tpu.memref_slice %arg10[%dma_wait3A_188, %dma_wait3A_191] : memref<8x512xi32, #tpu.memory_space<vmem>> -> memref<1x512xi32, #tpu.memory_space<vmem>>
    %dma_wait3A_193 = tpu.memref_squeeze %dma_wait3A_192 : memref<1x512xi32, #tpu.memory_space<vmem>> -> memref<512xi32, #tpu.memory_space<vmem>>
    %dma_wait3A_194 = arith.constant 0 : i32
    %dma_wait3A_195 = tpu.memref_slice %arg4[%dma_wait3A_187, %dma_wait3A_194] : memref<8x1000000xf32, #tpu.memory_space<hbm>> -> memref<1x1000000xf32, #tpu.memory_space<hbm>>
    %dma_wait3A_196 = tpu.memref_squeeze %dma_wait3A_195 : memref<1x1000000xf32, #tpu.memory_space<hbm>> -> memref<1000000xf32, #tpu.memory_space<hbm>>
    %dma_wait3A_197 = arith.constant 0 : i32
    %dma_wait3A_198 = tpu.memref_slice %dma_wait3A_196[%dma_wait3A_197] : memref<1000000xf32, #tpu.memory_space<hbm>> -> memref<1000000xf32, #tpu.memory_space<hbm>>
    tpu.wait_indirect_dma semaphore(%arg17 : memref<!tpu.dma_semaphore, #tpu.memory_space<semaphore_mem>>) src(%dma_wait3A_198 : memref<1000000xf32, #tpu.memory_space<hbm>>) dst(%dma_wait3A_190 : memref<512xf32, #tpu.memory_space<vmem>>)
    %dma_wait3A_199 = arith.constant 2 : i32
    %dma_wait3A_200 = arith.constant 2 : i32
    %dma_wait3A_201 = arith.constant 1024 : i32
    %dma_wait3A_202 = tpu.memref_slice %arg11[%dma_wait3A_201] : memref<4096xf32, #tpu.memory_space<vmem>> -> memref<512xf32, #tpu.memory_space<vmem>>
    %dma_wait3A_203 = arith.constant 0 : i32
    %dma_wait3A_204 = tpu.memref_slice %arg10[%dma_wait3A_200, %dma_wait3A_203] : memref<8x512xi32, #tpu.memory_space<vmem>> -> memref<1x512xi32, #tpu.memory_space<vmem>>
    %dma_wait3A_205 = tpu.memref_squeeze %dma_wait3A_204 : memref<1x512xi32, #tpu.memory_space<vmem>> -> memref<512xi32, #tpu.memory_space<vmem>>
    %dma_wait3A_206 = arith.constant 0 : i32
    %dma_wait3A_207 = tpu.memref_slice %arg4[%dma_wait3A_199, %dma_wait3A_206] : memref<8x1000000xf32, #tpu.memory_space<hbm>> -> memref<1x1000000xf32, #tpu.memory_space<hbm>>
    %dma_wait3A_208 = tpu.memref_squeeze %dma_wait3A_207 : memref<1x1000000xf32, #tpu.memory_space<hbm>> -> memref<1000000xf32, #tpu.memory_space<hbm>>
    %dma_wait3A_209 = arith.constant 0 : i32
    %dma_wait3A_210 = tpu.memref_slice %dma_wait3A_208[%dma_wait3A_209] : memref<1000000xf32, #tpu.memory_space<hbm>> -> memref<1000000xf32, #tpu.memory_space<hbm>>
    tpu.wait_indirect_dma semaphore(%arg17 : memref<!tpu.dma_semaphore, #tpu.memory_space<semaphore_mem>>) src(%dma_wait3A_210 : memref<1000000xf32, #tpu.memory_space<hbm>>) dst(%dma_wait3A_202 : memref<512xf32, #tpu.memory_space<vmem>>)
    %dma_wait3A_211 = arith.constant 3 : i32
    %dma_wait3A_212 = arith.constant 3 : i32
    %dma_wait3A_213 = arith.constant 1536 : i32
    %dma_wait3A_214 = tpu.memref_slice %arg11[%dma_wait3A_213] : memref<4096xf32, #tpu.memory_space<vmem>> -> memref<512xf32, #tpu.memory_space<vmem>>
    %dma_wait3A_215 = arith.constant 0 : i32
    %dma_wait3A_216 = tpu.memref_slice %arg10[%dma_wait3A_212, %dma_wait3A_215] : memref<8x512xi32, #tpu.memory_space<vmem>> -> memref<1x512xi32, #tpu.memory_space<vmem>>
    %dma_wait3A_217 = tpu.memref_squeeze %dma_wait3A_216 : memref<1x512xi32, #tpu.memory_space<vmem>> -> memref<512xi32, #tpu.memory_space<vmem>>
    %dma_wait3A_218 = arith.constant 0 : i32
    %dma_wait3A_219 = tpu.memref_slice %arg4[%dma_wait3A_211, %dma_wait3A_218] : memref<8x1000000xf32, #tpu.memory_space<hbm>> -> memref<1x1000000xf32, #tpu.memory_space<hbm>>
    %dma_wait3A_220 = tpu.memref_squeeze %dma_wait3A_219 : memref<1x1000000xf32, #tpu.memory_space<hbm>> -> memref<1000000xf32, #tpu.memory_space<hbm>>
    %dma_wait3A_221 = arith.constant 0 : i32
    %dma_wait3A_222 = tpu.memref_slice %dma_wait3A_220[%dma_wait3A_221] : memref<1000000xf32, #tpu.memory_space<hbm>> -> memref<1000000xf32, #tpu.memory_space<hbm>>
    tpu.wait_indirect_dma semaphore(%arg17 : memref<!tpu.dma_semaphore, #tpu.memory_space<semaphore_mem>>) src(%dma_wait3A_222 : memref<1000000xf32, #tpu.memory_space<hbm>>) dst(%dma_wait3A_214 : memref<512xf32, #tpu.memory_space<vmem>>)
    %dma_wait3A_223 = arith.constant 4 : i32
    %dma_wait3A_224 = arith.constant 4 : i32
    %dma_wait3A_225 = arith.constant 2048 : i32
    %dma_wait3A_226 = tpu.memref_slice %arg11[%dma_wait3A_225] : memref<4096xf32, #tpu.memory_space<vmem>> -> memref<512xf32, #tpu.memory_space<vmem>>
    %dma_wait3A_227 = arith.constant 0 : i32
    %dma_wait3A_228 = tpu.memref_slice %arg10[%dma_wait3A_224, %dma_wait3A_227] : memref<8x512xi32, #tpu.memory_space<vmem>> -> memref<1x512xi32, #tpu.memory_space<vmem>>
    %dma_wait3A_229 = tpu.memref_squeeze %dma_wait3A_228 : memref<1x512xi32, #tpu.memory_space<vmem>> -> memref<512xi32, #tpu.memory_space<vmem>>
    %dma_wait3A_230 = arith.constant 0 : i32
    %dma_wait3A_231 = tpu.memref_slice %arg4[%dma_wait3A_223, %dma_wait3A_230] : memref<8x1000000xf32, #tpu.memory_space<hbm>> -> memref<1x1000000xf32, #tpu.memory_space<hbm>>
    %dma_wait3A_232 = tpu.memref_squeeze %dma_wait3A_231 : memref<1x1000000xf32, #tpu.memory_space<hbm>> -> memref<1000000xf32, #tpu.memory_space<hbm>>
    %dma_wait3A_233 = arith.constant 0 : i32
    %dma_wait3A_234 = tpu.memref_slice %dma_wait3A_232[%dma_wait3A_233] : memref<1000000xf32, #tpu.memory_space<hbm>> -> memref<1000000xf32, #tpu.memory_space<hbm>>
    tpu.wait_indirect_dma semaphore(%arg17 : memref<!tpu.dma_semaphore, #tpu.memory_space<semaphore_mem>>) src(%dma_wait3A_234 : memref<1000000xf32, #tpu.memory_space<hbm>>) dst(%dma_wait3A_226 : memref<512xf32, #tpu.memory_space<vmem>>)
    %dma_wait3A_235 = arith.constant 5 : i32
    %dma_wait3A_236 = arith.constant 5 : i32
    %dma_wait3A_237 = arith.constant 2560 : i32
    %dma_wait3A_238 = tpu.memref_slice %arg11[%dma_wait3A_237] : memref<4096xf32, #tpu.memory_space<vmem>> -> memref<512xf32, #tpu.memory_space<vmem>>
    %dma_wait3A_239 = arith.constant 0 : i32
    %dma_wait3A_240 = tpu.memref_slice %arg10[%dma_wait3A_236, %dma_wait3A_239] : memref<8x512xi32, #tpu.memory_space<vmem>> -> memref<1x512xi32, #tpu.memory_space<vmem>>
    %dma_wait3A_241 = tpu.memref_squeeze %dma_wait3A_240 : memref<1x512xi32, #tpu.memory_space<vmem>> -> memref<512xi32, #tpu.memory_space<vmem>>
    %dma_wait3A_242 = arith.constant 0 : i32
    %dma_wait3A_243 = tpu.memref_slice %arg4[%dma_wait3A_235, %dma_wait3A_242] : memref<8x1000000xf32, #tpu.memory_space<hbm>> -> memref<1x1000000xf32, #tpu.memory_space<hbm>>
    %dma_wait3A_244 = tpu.memref_squeeze %dma_wait3A_243 : memref<1x1000000xf32, #tpu.memory_space<hbm>> -> memref<1000000xf32, #tpu.memory_space<hbm>>
    %dma_wait3A_245 = arith.constant 0 : i32
    %dma_wait3A_246 = tpu.memref_slice %dma_wait3A_244[%dma_wait3A_245] : memref<1000000xf32, #tpu.memory_space<hbm>> -> memref<1000000xf32, #tpu.memory_space<hbm>>
    tpu.wait_indirect_dma semaphore(%arg17 : memref<!tpu.dma_semaphore, #tpu.memory_space<semaphore_mem>>) src(%dma_wait3A_246 : memref<1000000xf32, #tpu.memory_space<hbm>>) dst(%dma_wait3A_238 : memref<512xf32, #tpu.memory_space<vmem>>)
    %dma_wait3A_247 = arith.constant 6 : i32
    %dma_wait3A_248 = arith.constant 6 : i32
    %dma_wait3A_249 = arith.constant 3072 : i32
    %dma_wait3A_250 = tpu.memref_slice %arg11[%dma_wait3A_249] : memref<4096xf32, #tpu.memory_space<vmem>> -> memref<512xf32, #tpu.memory_space<vmem>>
    %dma_wait3A_251 = arith.constant 0 : i32
    %dma_wait3A_252 = tpu.memref_slice %arg10[%dma_wait3A_248, %dma_wait3A_251] : memref<8x512xi32, #tpu.memory_space<vmem>> -> memref<1x512xi32, #tpu.memory_space<vmem>>
    %dma_wait3A_253 = tpu.memref_squeeze %dma_wait3A_252 : memref<1x512xi32, #tpu.memory_space<vmem>> -> memref<512xi32, #tpu.memory_space<vmem>>
    %dma_wait3A_254 = arith.constant 0 : i32
    %dma_wait3A_255 = tpu.memref_slice %arg4[%dma_wait3A_247, %dma_wait3A_254] : memref<8x1000000xf32, #tpu.memory_space<hbm>> -> memref<1x1000000xf32, #tpu.memory_space<hbm>>
    %dma_wait3A_256 = tpu.memref_squeeze %dma_wait3A_255 : memref<1x1000000xf32, #tpu.memory_space<hbm>> -> memref<1000000xf32, #tpu.memory_space<hbm>>
    %dma_wait3A_257 = arith.constant 0 : i32
    %dma_wait3A_258 = tpu.memref_slice %dma_wait3A_256[%dma_wait3A_257] : memref<1000000xf32, #tpu.memory_space<hbm>> -> memref<1000000xf32, #tpu.memory_space<hbm>>
    tpu.wait_indirect_dma semaphore(%arg17 : memref<!tpu.dma_semaphore, #tpu.memory_space<semaphore_mem>>) src(%dma_wait3A_258 : memref<1000000xf32, #tpu.memory_space<hbm>>) dst(%dma_wait3A_250 : memref<512xf32, #tpu.memory_space<vmem>>)
    %dma_wait3A_259 = arith.constant 7 : i32
    %dma_wait3A_260 = arith.constant 7 : i32
    %dma_wait3A_261 = arith.constant 3584 : i32
    %dma_wait3A_262 = tpu.memref_slice %arg11[%dma_wait3A_261] : memref<4096xf32, #tpu.memory_space<vmem>> -> memref<512xf32, #tpu.memory_space<vmem>>
    %dma_wait3A_263 = arith.constant 0 : i32
    %dma_wait3A_264 = tpu.memref_slice %arg10[%dma_wait3A_260, %dma_wait3A_263] : memref<8x512xi32, #tpu.memory_space<vmem>> -> memref<1x512xi32, #tpu.memory_space<vmem>>
    %dma_wait3A_265 = tpu.memref_squeeze %dma_wait3A_264 : memref<1x512xi32, #tpu.memory_space<vmem>> -> memref<512xi32, #tpu.memory_space<vmem>>
    %dma_wait3A_266 = arith.constant 0 : i32
    %dma_wait3A_267 = tpu.memref_slice %arg4[%dma_wait3A_259, %dma_wait3A_266] : memref<8x1000000xf32, #tpu.memory_space<hbm>> -> memref<1x1000000xf32, #tpu.memory_space<hbm>>
    %dma_wait3A_268 = tpu.memref_squeeze %dma_wait3A_267 : memref<1x1000000xf32, #tpu.memory_space<hbm>> -> memref<1000000xf32, #tpu.memory_space<hbm>>
    %dma_wait3A_269 = arith.constant 0 : i32
    %dma_wait3A_270 = tpu.memref_slice %dma_wait3A_268[%dma_wait3A_269] : memref<1000000xf32, #tpu.memory_space<hbm>> -> memref<1000000xf32, #tpu.memory_space<hbm>>
    tpu.wait_indirect_dma semaphore(%arg17 : memref<!tpu.dma_semaphore, #tpu.memory_space<semaphore_mem>>) src(%dma_wait3A_270 : memref<1000000xf32, #tpu.memory_space<hbm>>) dst(%dma_wait3A_262 : memref<512xf32, #tpu.memory_space<vmem>>)
    %get3A = arith.constant 0 : index
    %get3A_271 = tpu.vector_load %arg13[%get3A] {strides = array<i32>} : memref<16xf32, #tpu.memory_space<vmem>>, vector<16xf32>,
    %eq3A = arith.constant 0 : i32
    %eq3A_272 = vector.broadcast %eq3A : i32 to vector<16xi32>
    %eq3A_273 = arith.cmpi eq, %iota3A, %eq3A_272 : vector<16xi32>
    %jit3A = arith.constant 0.000000e+00 : f32
    %broadcast_in_dim3A = vector.broadcast %jit3A : f32 to vector<16xf32>
    %select_n3A = arith.select %eq3A_273, %get3A_271, %broadcast_in_dim3A : vector<16xi1>, vector<16xf32>
    %reduce_sum3A = arith.constant true
    %reduce_sum3A_274 = vector.broadcast %reduce_sum3A : i1 to vector<16xi1>
    %reduce_sum3A_275 = tpu.scan <sum>, %select_n3A masked %reduce_sum3A_274 : vector<16xf32>, vector<16xi1> -> vector<16xf32>
    %reduce_sum3A_276 = vector.extract %reduce_sum3A_275[15] : f32 from vector<16xf32>
    %broadcast_in_dim3A_277 = arith.constant 0.000000e+00 : f32
    %broadcast_in_dim3A_278 = vector.broadcast %broadcast_in_dim3A_277 : f32 to vector<16xf32>
    %add3A_279 = vector.broadcast %reduce_sum3A_276 : f32 to vector<16xf32>
    %add3A_280 = arith.addf %broadcast_in_dim3A_278, %add3A_279 : vector<16xf32>
    %eq3A_281 = arith.constant 1 : i32
    %eq3A_282 = vector.broadcast %eq3A_281 : i32 to vector<16xi32>
    %eq3A_283 = arith.cmpi eq, %iota3A, %eq3A_282 : vector<16xi32>
    %jit3A_284 = arith.constant 0.000000e+00 : f32
    %broadcast_in_dim3A_285 = vector.broadcast %jit3A_284 : f32 to vector<16xf32>
    %select_n3A_286 = arith.select %eq3A_283, %get3A_271, %broadcast_in_dim3A_285 : vector<16xi1>, vector<16xf32>
    %reduce_sum3A_287 = arith.constant true
    %reduce_sum3A_288 = vector.broadcast %reduce_sum3A_287 : i1 to vector<16xi1>
    %reduce_sum3A_289 = tpu.scan <sum>, %select_n3A_286 masked %reduce_sum3A_288 : vector<16xf32>, vector<16xi1> -> vector<16xf32>
    %reduce_sum3A_290 = vector.extract %reduce_sum3A_289[15] : f32 from vector<16xf32>
    %broadcast_in_dim3A_291 = arith.constant 0.000000e+00 : f32
    %broadcast_in_dim3A_292 = vector.broadcast %broadcast_in_dim3A_291 : f32 to vector<16xf32>
    %add3A_293 = vector.broadcast %reduce_sum3A_290 : f32 to vector<16xf32>
    %add3A_294 = arith.addf %broadcast_in_dim3A_292, %add3A_293 : vector<16xf32>
    %eq3A_295 = arith.constant 2 : i32
    %eq3A_296 = vector.broadcast %eq3A_295 : i32 to vector<16xi32>
    %eq3A_297 = arith.cmpi eq, %iota3A, %eq3A_296 : vector<16xi32>
    %jit3A_298 = arith.constant 0.000000e+00 : f32
    %broadcast_in_dim3A_299 = vector.broadcast %jit3A_298 : f32 to vector<16xf32>
    %select_n3A_300 = arith.select %eq3A_297, %get3A_271, %broadcast_in_dim3A_299 : vector<16xi1>, vector<16xf32>
    %reduce_sum3A_301 = arith.constant true
    %reduce_sum3A_302 = vector.broadcast %reduce_sum3A_301 : i1 to vector<16xi1>
    %reduce_sum3A_303 = tpu.scan <sum>, %select_n3A_300 masked %reduce_sum3A_302 : vector<16xf32>, vector<16xi1> -> vector<16xf32>
    %reduce_sum3A_304 = vector.extract %reduce_sum3A_303[15] : f32 from vector<16xf32>
    %broadcast_in_dim3A_305 = arith.constant 0.000000e+00 : f32
    %broadcast_in_dim3A_306 = vector.broadcast %broadcast_in_dim3A_305 : f32 to vector<16xf32>
    %add3A_307 = vector.broadcast %reduce_sum3A_304 : f32 to vector<16xf32>
    %add3A_308 = arith.addf %broadcast_in_dim3A_306, %add3A_307 : vector<16xf32>
    %eq3A_309 = arith.constant 3 : i32
    %eq3A_310 = vector.broadcast %eq3A_309 : i32 to vector<16xi32>
    %eq3A_311 = arith.cmpi eq, %iota3A, %eq3A_310 : vector<16xi32>
    %jit3A_312 = arith.constant 0.000000e+00 : f32
    %broadcast_in_dim3A_313 = vector.broadcast %jit3A_312 : f32 to vector<16xf32>
    %select_n3A_314 = arith.select %eq3A_311, %get3A_271, %broadcast_in_dim3A_313 : vector<16xi1>, vector<16xf32>
    %reduce_sum3A_315 = arith.constant true
    %reduce_sum3A_316 = vector.broadcast %reduce_sum3A_315 : i1 to vector<16xi1>
    %reduce_sum3A_317 = tpu.scan <sum>, %select_n3A_314 masked %reduce_sum3A_316 : vector<16xf32>, vector<16xi1> -> vector<16xf32>
    %reduce_sum3A_318 = vector.extract %reduce_sum3A_317[15] : f32 from vector<16xf32>
    %broadcast_in_dim3A_319 = arith.constant 0.000000e+00 : f32
    %broadcast_in_dim3A_320 = vector.broadcast %broadcast_in_dim3A_319 : f32 to vector<16xf32>
    %add3A_321 = vector.broadcast %reduce_sum3A_318 : f32 to vector<16xf32>
    %add3A_322 = arith.addf %broadcast_in_dim3A_320, %add3A_321 : vector<16xf32>
    %eq3A_323 = arith.constant 4 : i32
    %eq3A_324 = vector.broadcast %eq3A_323 : i32 to vector<16xi32>
    %eq3A_325 = arith.cmpi eq, %iota3A, %eq3A_324 : vector<16xi32>
    %jit3A_326 = arith.constant 0.000000e+00 : f32
    %broadcast_in_dim3A_327 = vector.broadcast %jit3A_326 : f32 to vector<16xf32>
    %select_n3A_328 = arith.select %eq3A_325, %get3A_271, %broadcast_in_dim3A_327 : vector<16xi1>, vector<16xf32>
    %reduce_sum3A_329 = arith.constant true
    %reduce_sum3A_330 = vector.broadcast %reduce_sum3A_329 : i1 to vector<16xi1>
    %reduce_sum3A_331 = tpu.scan <sum>, %select_n3A_328 masked %reduce_sum3A_330 : vector<16xf32>, vector<16xi1> -> vector<16xf32>
    %reduce_sum3A_332 = vector.extract %reduce_sum3A_331[15] : f32 from vector<16xf32>
    %broadcast_in_dim3A_333 = arith.constant 0.000000e+00 : f32
    %broadcast_in_dim3A_334 = vector.broadcast %broadcast_in_dim3A_333 : f32 to vector<16xf32>
    %add3A_335 = vector.broadcast %reduce_sum3A_332 : f32 to vector<16xf32>
    %add3A_336 = arith.addf %broadcast_in_dim3A_334, %add3A_335 : vector<16xf32>
    %eq3A_337 = arith.constant 5 : i32
    %eq3A_338 = vector.broadcast %eq3A_337 : i32 to vector<16xi32>
    %eq3A_339 = arith.cmpi eq, %iota3A, %eq3A_338 : vector<16xi32>
    %jit3A_340 = arith.constant 0.000000e+00 : f32
    %broadcast_in_dim3A_341 = vector.broadcast %jit3A_340 : f32 to vector<16xf32>
    %select_n3A_342 = arith.select %eq3A_339, %get3A_271, %broadcast_in_dim3A_341 : vector<16xi1>, vector<16xf32>
    %reduce_sum3A_343 = arith.constant true
    %reduce_sum3A_344 = vector.broadcast %reduce_sum3A_343 : i1 to vector<16xi1>
    %reduce_sum3A_345 = tpu.scan <sum>, %select_n3A_342 masked %reduce_sum3A_344 : vector<16xf32>, vector<16xi1> -> vector<16xf32>
    %reduce_sum3A_346 = vector.extract %reduce_sum3A_345[15] : f32 from vector<16xf32>
    %broadcast_in_dim3A_347 = arith.constant 0.000000e+00 : f32
    %broadcast_in_dim3A_348 = vector.broadcast %broadcast_in_dim3A_347 : f32 to vector<16xf32>
    %add3A_349 = vector.broadcast %reduce_sum3A_346 : f32 to vector<16xf32>
    %add3A_350 = arith.addf %broadcast_in_dim3A_348, %add3A_349 : vector<16xf32>
    %eq3A_351 = arith.constant 6 : i32
    %eq3A_352 = vector.broadcast %eq3A_351 : i32 to vector<16xi32>
    %eq3A_353 = arith.cmpi eq, %iota3A, %eq3A_352 : vector<16xi32>
    %jit3A_354 = arith.constant 0.000000e+00 : f32
    %broadcast_in_dim3A_355 = vector.broadcast %jit3A_354 : f32 to vector<16xf32>
    %select_n3A_356 = arith.select %eq3A_353, %get3A_271, %broadcast_in_dim3A_355 : vector<16xi1>, vector<16xf32>
    %reduce_sum3A_357 = arith.constant true
    %reduce_sum3A_358 = vector.broadcast %reduce_sum3A_357 : i1 to vector<16xi1>
    %reduce_sum3A_359 = tpu.scan <sum>, %select_n3A_356 masked %reduce_sum3A_358 : vector<16xf32>, vector<16xi1> -> vector<16xf32>
    %reduce_sum3A_360 = vector.extract %reduce_sum3A_359[15] : f32 from vector<16xf32>
    %broadcast_in_dim3A_361 = arith.constant 0.000000e+00 : f32
    %broadcast_in_dim3A_362 = vector.broadcast %broadcast_in_dim3A_361 : f32 to vector<16xf32>
    %add3A_363 = vector.broadcast %reduce_sum3A_360 : f32 to vector<16xf32>
    %add3A_364 = arith.addf %broadcast_in_dim3A_362, %add3A_363 : vector<16xf32>
    %eq3A_365 = arith.constant 7 : i32
    %eq3A_366 = vector.broadcast %eq3A_365 : i32 to vector<16xi32>
    %eq3A_367 = arith.cmpi eq, %iota3A, %eq3A_366 : vector<16xi32>
    %jit3A_368 = arith.constant 0.000000e+00 : f32
    %broadcast_in_dim3A_369 = vector.broadcast %jit3A_368 : f32 to vector<16xf32>
    %select_n3A_370 = arith.select %eq3A_367, %get3A_271, %broadcast_in_dim3A_369 : vector<16xi1>, vector<16xf32>
    %reduce_sum3A_371 = arith.constant true
    %reduce_sum3A_372 = vector.broadcast %reduce_sum3A_371 : i1 to vector<16xi1>
    %reduce_sum3A_373 = tpu.scan <sum>, %select_n3A_370 masked %reduce_sum3A_372 : vector<16xf32>, vector<16xi1> -> vector<16xf32>
    %reduce_sum3A_374 = vector.extract %reduce_sum3A_373[15] : f32 from vector<16xf32>
    %broadcast_in_dim3A_375 = arith.constant 0.000000e+00 : f32
    %broadcast_in_dim3A_376 = vector.broadcast %broadcast_in_dim3A_375 : f32 to vector<16xf32>
    %add3A_377 = vector.broadcast %reduce_sum3A_374 : f32 to vector<16xf32>
    %add3A_378 = arith.addf %broadcast_in_dim3A_376, %add3A_377 : vector<16xf32>
    %eq3A_379 = arith.constant 8 : i32
    %eq3A_380 = vector.broadcast %eq3A_379 : i32 to vector<16xi32>
    %eq3A_381 = arith.cmpi eq, %iota3A, %eq3A_380 : vector<16xi32>
    %jit3A_382 = arith.constant 0.000000e+00 : f32
    %broadcast_in_dim3A_383 = vector.broadcast %jit3A_382 : f32 to vector<16xf32>
    %select_n3A_384 = arith.select %eq3A_381, %get3A_271, %broadcast_in_dim3A_383 : vector<16xi1>, vector<16xf32>
    %reduce_sum3A_385 = arith.constant true
    %reduce_sum3A_386 = vector.broadcast %reduce_sum3A_385 : i1 to vector<16xi1>
    %reduce_sum3A_387 = tpu.scan <sum>, %select_n3A_384 masked %reduce_sum3A_386 : vector<16xf32>, vector<16xi1> -> vector<16xf32>
    %reduce_sum3A_388 = vector.extract %reduce_sum3A_387[15] : f32 from vector<16xf32>
    %broadcast_in_dim3A_389 = arith.constant 0.000000e+00 : f32
    %broadcast_in_dim3A_390 = vector.broadcast %broadcast_in_dim3A_389 : f32 to vector<16xf32>
    %add3A_391 = vector.broadcast %reduce_sum3A_388 : f32 to vector<16xf32>
    %add3A_392 = arith.addf %broadcast_in_dim3A_390, %add3A_391 : vector<16xf32>
    %scan3A_393 = arith.constant 0 : i32
    %scan3A_394 = arith.constant 0 : i32
    %scan3A_395 = arith.constant 32 : i32
    %scan3A_396 = arith.addi %scan3A_394, %scan3A_395 : i32
    %scan3A_397 = arith.constant 1 : i32
    %scan3A_398 = scf.for %scan3A_403 = %scan3A_394 to %scan3A_396 step %scan3A_397 iter_args(%scan3A_404 = %scan3A_393) -> (i32)  : i32 {
      %sub3A = arith.constant 1.000000e+00 : f32
      %sub3A_405 = vector.broadcast %sub3A : f32 to vector<16xf32>
      %sub3A_406 = arith.subf %sub3A_405, %add3A_392 : vector<16xf32>
      %mul3A_407 = arith.constant 16 : i32
      %mul3A_408 = arith.muli %scan3A_403, %mul3A_407 : i32
      %add3A_409 = vector.broadcast %mul3A_408 : i32 to vector<16xi32>
      %add3A_410 = arith.addi %add3A_409, %iota3A : vector<16xi32>
      %multiple_of3A = arith.constant 0 : i32
      %multiple_of3A_411 = tpu.assume_multiple %multiple_of3A, 16 : i32
      %get3A_412 = arith.index_cast %multiple_of3A_411 : i32 to index
      %get3A_413 = tpu.vector_load %arg14[%get3A_412] {strides = array<i32>} : memref<128xi32, #tpu.memory_space<vmem>>, vector<16xi32>,
      %gather3A = tpu.vector_load_idx %arg9[%add3A_410, %get3A_413] : memref<512x8xf32, #tpu.memory_space<vmem>>[vector<16xi32>, vector<16xi32>], vector<16xf32>,
      %add3A_414 = arith.constant 0 : i32
      %add3A_415 = arith.addi %add3A_414, %scan3A_403 : i32
      %mul3A_416 = arith.constant 16 : i32
      %mul3A_417 = arith.muli %add3A_415, %mul3A_416 : i32
      %multiple_of3A_418 = tpu.assume_multiple %mul3A_417, 16 : i32
      %get3A_419 = arith.index_cast %multiple_of3A_418 : i32 to index
      %get3A_420 = tpu.vector_load %arg11[%get3A_419] {strides = array<i32>} : memref<4096xf32, #tpu.memory_space<vmem>>, vector<16xf32>,
      %eq3A_421 = arith.cmpf oeq, %gather3A, %gather3A : vector<16xf32>
      %neg3A = arith.constant 0.000000e+00 : f32
      %neg3A_422 = vector.broadcast %neg3A : f32 to vector<16xf32>
      %neg3A_423 = arith.subf %neg3A_422, %get3A_420 : vector<16xf32>
      %exp3A = math.exp %neg3A_423 : vector<16xf32>
      %add3A_424 = arith.constant 1.000000e+00 : f32
      %add3A_425 = vector.broadcast %add3A_424 : f32 to vector<16xf32>
      %add3A_426 = arith.addf %add3A_425, %exp3A : vector<16xf32>
      %div3A = arith.constant 1.000000e+00 : f32
      %div3A_427 = vector.broadcast %div3A : f32 to vector<16xf32>
      %div3A_428 = arith.divf %div3A_427, %add3A_426 : vector<16xf32>
      %jit3A_429 = arith.constant 0.000000e+00 : f32
      %broadcast_in_dim3A_430 = vector.broadcast %jit3A_429 : f32 to vector<16xf32>
      %select_n3A_431 = arith.select %eq3A_421, %div3A_428, %broadcast_in_dim3A_430 : vector<16xi1>, vector<16xf32>
      %mul3A_432 = arith.mulf %add3A_280, %select_n3A_431 : vector<16xf32>
      %add3A_433 = arith.addf %sub3A_406, %mul3A_432 : vector<16xf32>
      %multiple_of3A_434 = arith.constant 16 : i32
      %multiple_of3A_435 = tpu.assume_multiple %multiple_of3A_434, 16 : i32
      %get3A_436 = arith.index_cast %multiple_of3A_435 : i32 to index
      %get3A_437 = tpu.vector_load %arg14[%get3A_436] {strides = array<i32>} : memref<128xi32, #tpu.memory_space<vmem>>, vector<16xi32>,
      %gather3A_438 = tpu.vector_load_idx %arg9[%add3A_410, %get3A_437] : memref<512x8xf32, #tpu.memory_space<vmem>>[vector<16xi32>, vector<16xi32>], vector<16xf32>,
      %add3A_439 = arith.constant 32 : i32
      %add3A_440 = arith.addi %add3A_439, %scan3A_403 : i32
      %mul3A_441 = arith.constant 16 : i32
      %mul3A_442 = arith.muli %add3A_440, %mul3A_441 : i32
      %multiple_of3A_443 = tpu.assume_multiple %mul3A_442, 16 : i32
      %get3A_444 = arith.index_cast %multiple_of3A_443 : i32 to index
      %get3A_445 = tpu.vector_load %arg11[%get3A_444] {strides = array<i32>} : memref<4096xf32, #tpu.memory_space<vmem>>, vector<16xf32>,
      %eq3A_446 = arith.cmpf oeq, %gather3A_438, %gather3A_438 : vector<16xf32>
      %neg3A_447 = arith.constant 0.000000e+00 : f32
      %neg3A_448 = vector.broadcast %neg3A_447 : f32 to vector<16xf32>
      %neg3A_449 = arith.subf %neg3A_448, %get3A_445 : vector<16xf32>
      %exp3A_450 = math.exp %neg3A_449 : vector<16xf32>
      %add3A_451 = arith.constant 1.000000e+00 : f32
      %add3A_452 = vector.broadcast %add3A_451 : f32 to vector<16xf32>
      %add3A_453 = arith.addf %add3A_452, %exp3A_450 : vector<16xf32>
      %div3A_454 = arith.constant 1.000000e+00 : f32
      %div3A_455 = vector.broadcast %div3A_454 : f32 to vector<16xf32>
      %div3A_456 = arith.divf %div3A_455, %add3A_453 : vector<16xf32>
      %jit3A_457 = arith.constant 0.000000e+00 : f32
      %broadcast_in_dim3A_458 = vector.broadcast %jit3A_457 : f32 to vector<16xf32>
      %select_n3A_459 = arith.select %eq3A_446, %div3A_456, %broadcast_in_dim3A_458 : vector<16xi1>, vector<16xf32>
      %mul3A_460 = arith.mulf %add3A_294, %select_n3A_459 : vector<16xf32>
      %add3A_461 = arith.addf %add3A_433, %mul3A_460 : vector<16xf32>
      %multiple_of3A_462 = arith.constant 32 : i32
      %multiple_of3A_463 = tpu.assume_multiple %multiple_of3A_462, 16 : i32
      %get3A_464 = arith.index_cast %multiple_of3A_463 : i32 to index
      %get3A_465 = tpu.vector_load %arg14[%get3A_464] {strides = array<i32>} : memref<128xi32, #tpu.memory_space<vmem>>, vector<16xi32>,
      %gather3A_466 = tpu.vector_load_idx %arg9[%add3A_410, %get3A_465] : memref<512x8xf32, #tpu.memory_space<vmem>>[vector<16xi32>, vector<16xi32>], vector<16xf32>,
      %add3A_467 = arith.constant 64 : i32
      %add3A_468 = arith.addi %add3A_467, %scan3A_403 : i32
      %mul3A_469 = arith.constant 16 : i32
      %mul3A_470 = arith.muli %add3A_468, %mul3A_469 : i32
      %multiple_of3A_471 = tpu.assume_multiple %mul3A_470, 16 : i32
      %get3A_472 = arith.index_cast %multiple_of3A_471 : i32 to index
      %get3A_473 = tpu.vector_load %arg11[%get3A_472] {strides = array<i32>} : memref<4096xf32, #tpu.memory_space<vmem>>, vector<16xf32>,
      %eq3A_474 = arith.cmpf oeq, %gather3A_466, %gather3A_466 : vector<16xf32>
      %neg3A_475 = arith.constant 0.000000e+00 : f32
      %neg3A_476 = vector.broadcast %neg3A_475 : f32 to vector<16xf32>
      %neg3A_477 = arith.subf %neg3A_476, %get3A_473 : vector<16xf32>
      %exp3A_478 = math.exp %neg3A_477 : vector<16xf32>
      %add3A_479 = arith.constant 1.000000e+00 : f32
      %add3A_480 = vector.broadcast %add3A_479 : f32 to vector<16xf32>
      %add3A_481 = arith.addf %add3A_480, %exp3A_478 : vector<16xf32>
      %div3A_482 = arith.constant 1.000000e+00 : f32
      %div3A_483 = vector.broadcast %div3A_482 : f32 to vector<16xf32>
      %div3A_484 = arith.divf %div3A_483, %add3A_481 : vector<16xf32>
      %jit3A_485 = arith.constant 0.000000e+00 : f32
      %broadcast_in_dim3A_486 = vector.broadcast %jit3A_485 : f32 to vector<16xf32>
      %select_n3A_487 = arith.select %eq3A_474, %div3A_484, %broadcast_in_dim3A_486 : vector<16xi1>, vector<16xf32>
      %mul3A_488 = arith.mulf %add3A_308, %select_n3A_487 : vector<16xf32>
      %add3A_489 = arith.addf %add3A_461, %mul3A_488 : vector<16xf32>
      %multiple_of3A_490 = arith.constant 48 : i32
      %multiple_of3A_491 = tpu.assume_multiple %multiple_of3A_490, 16 : i32
      %get3A_492 = arith.index_cast %multiple_of3A_491 : i32 to index
      %get3A_493 = tpu.vector_load %arg14[%get3A_492] {strides = array<i32>} : memref<128xi32, #tpu.memory_space<vmem>>, vector<16xi32>,
      %gather3A_494 = tpu.vector_load_idx %arg9[%add3A_410, %get3A_493] : memref<512x8xf32, #tpu.memory_space<vmem>>[vector<16xi32>, vector<16xi32>], vector<16xf32>,
      %add3A_495 = arith.constant 96 : i32
      %add3A_496 = arith.addi %add3A_495, %scan3A_403 : i32
      %mul3A_497 = arith.constant 16 : i32
      %mul3A_498 = arith.muli %add3A_496, %mul3A_497 : i32
      %multiple_of3A_499 = tpu.assume_multiple %mul3A_498, 16 : i32
      %get3A_500 = arith.index_cast %multiple_of3A_499 : i32 to index
      %get3A_501 = tpu.vector_load %arg11[%get3A_500] {strides = array<i32>} : memref<4096xf32, #tpu.memory_space<vmem>>, vector<16xf32>,
      %eq3A_502 = arith.cmpf oeq, %gather3A_494, %gather3A_494 : vector<16xf32>
      %neg3A_503 = arith.constant 0.000000e+00 : f32
      %neg3A_504 = vector.broadcast %neg3A_503 : f32 to vector<16xf32>
      %neg3A_505 = arith.subf %neg3A_504, %get3A_501 : vector<16xf32>
      %exp3A_506 = math.exp %neg3A_505 : vector<16xf32>
      %add3A_507 = arith.constant 1.000000e+00 : f32
      %add3A_508 = vector.broadcast %add3A_507 : f32 to vector<16xf32>
      %add3A_509 = arith.addf %add3A_508, %exp3A_506 : vector<16xf32>
      %div3A_510 = arith.constant 1.000000e+00 : f32
      %div3A_511 = vector.broadcast %div3A_510 : f32 to vector<16xf32>
      %div3A_512 = arith.divf %div3A_511, %add3A_509 : vector<16xf32>
      %jit3A_513 = arith.constant 0.000000e+00 : f32
      %broadcast_in_dim3A_514 = vector.broadcast %jit3A_513 : f32 to vector<16xf32>
      %select_n3A_515 = arith.select %eq3A_502, %div3A_512, %broadcast_in_dim3A_514 : vector<16xi1>, vector<16xf32>
      %mul3A_516 = arith.mulf %add3A_322, %select_n3A_515 : vector<16xf32>
      %add3A_517 = arith.addf %add3A_489, %mul3A_516 : vector<16xf32>
      %multiple_of3A_518 = arith.constant 64 : i32
      %multiple_of3A_519 = tpu.assume_multiple %multiple_of3A_518, 16 : i32
      %get3A_520 = arith.index_cast %multiple_of3A_519 : i32 to index
      %get3A_521 = tpu.vector_load %arg14[%get3A_520] {strides = array<i32>} : memref<128xi32, #tpu.memory_space<vmem>>, vector<16xi32>,
      %gather3A_522 = tpu.vector_load_idx %arg9[%add3A_410, %get3A_521] : memref<512x8xf32, #tpu.memory_space<vmem>>[vector<16xi32>, vector<16xi32>], vector<16xf32>,
      %add3A_523 = arith.constant 128 : i32
      %add3A_524 = arith.addi %add3A_523, %scan3A_403 : i32
      %mul3A_525 = arith.constant 16 : i32
      %mul3A_526 = arith.muli %add3A_524, %mul3A_525 : i32
      %multiple_of3A_527 = tpu.assume_multiple %mul3A_526, 16 : i32
      %get3A_528 = arith.index_cast %multiple_of3A_527 : i32 to index
      %get3A_529 = tpu.vector_load %arg11[%get3A_528] {strides = array<i32>} : memref<4096xf32, #tpu.memory_space<vmem>>, vector<16xf32>,
      %eq3A_530 = arith.cmpf oeq, %gather3A_522, %gather3A_522 : vector<16xf32>
      %neg3A_531 = arith.constant 0.000000e+00 : f32
      %neg3A_532 = vector.broadcast %neg3A_531 : f32 to vector<16xf32>
      %neg3A_533 = arith.subf %neg3A_532, %get3A_529 : vector<16xf32>
      %exp3A_534 = math.exp %neg3A_533 : vector<16xf32>
      %add3A_535 = arith.constant 1.000000e+00 : f32
      %add3A_536 = vector.broadcast %add3A_535 : f32 to vector<16xf32>
      %add3A_537 = arith.addf %add3A_536, %exp3A_534 : vector<16xf32>
      %div3A_538 = arith.constant 1.000000e+00 : f32
      %div3A_539 = vector.broadcast %div3A_538 : f32 to vector<16xf32>
      %div3A_540 = arith.divf %div3A_539, %add3A_537 : vector<16xf32>
      %jit3A_541 = arith.constant 0.000000e+00 : f32
      %broadcast_in_dim3A_542 = vector.broadcast %jit3A_541 : f32 to vector<16xf32>
      %select_n3A_543 = arith.select %eq3A_530, %div3A_540, %broadcast_in_dim3A_542 : vector<16xi1>, vector<16xf32>
      %mul3A_544 = arith.mulf %add3A_336, %select_n3A_543 : vector<16xf32>
      %add3A_545 = arith.addf %add3A_517, %mul3A_544 : vector<16xf32>
      %multiple_of3A_546 = arith.constant 80 : i32
      %multiple_of3A_547 = tpu.assume_multiple %multiple_of3A_546, 16 : i32
      %get3A_548 = arith.index_cast %multiple_of3A_547 : i32 to index
      %get3A_549 = tpu.vector_load %arg14[%get3A_548] {strides = array<i32>} : memref<128xi32, #tpu.memory_space<vmem>>, vector<16xi32>,
      %gather3A_550 = tpu.vector_load_idx %arg9[%add3A_410, %get3A_549] : memref<512x8xf32, #tpu.memory_space<vmem>>[vector<16xi32>, vector<16xi32>], vector<16xf32>,
      %add3A_551 = arith.constant 160 : i32
      %add3A_552 = arith.addi %add3A_551, %scan3A_403 : i32
      %mul3A_553 = arith.constant 16 : i32
      %mul3A_554 = arith.muli %add3A_552, %mul3A_553 : i32
      %multiple_of3A_555 = tpu.assume_multiple %mul3A_554, 16 : i32
      %get3A_556 = arith.index_cast %multiple_of3A_555 : i32 to index
      %get3A_557 = tpu.vector_load %arg11[%get3A_556] {strides = array<i32>} : memref<4096xf32, #tpu.memory_space<vmem>>, vector<16xf32>,
      %eq3A_558 = arith.cmpf oeq, %gather3A_550, %gather3A_550 : vector<16xf32>
      %neg3A_559 = arith.constant 0.000000e+00 : f32
      %neg3A_560 = vector.broadcast %neg3A_559 : f32 to vector<16xf32>
      %neg3A_561 = arith.subf %neg3A_560, %get3A_557 : vector<16xf32>
      %exp3A_562 = math.exp %neg3A_561 : vector<16xf32>
      %add3A_563 = arith.constant 1.000000e+00 : f32
      %add3A_564 = vector.broadcast %add3A_563 : f32 to vector<16xf32>
      %add3A_565 = arith.addf %add3A_564, %exp3A_562 : vector<16xf32>
      %div3A_566 = arith.constant 1.000000e+00 : f32
      %div3A_567 = vector.broadcast %div3A_566 : f32 to vector<16xf32>
      %div3A_568 = arith.divf %div3A_567, %add3A_565 : vector<16xf32>
      %jit3A_569 = arith.constant 0.000000e+00 : f32
      %broadcast_in_dim3A_570 = vector.broadcast %jit3A_569 : f32 to vector<16xf32>
      %select_n3A_571 = arith.select %eq3A_558, %div3A_568, %broadcast_in_dim3A_570 : vector<16xi1>, vector<16xf32>
      %mul3A_572 = arith.mulf %add3A_350, %select_n3A_571 : vector<16xf32>
      %add3A_573 = arith.addf %add3A_545, %mul3A_572 : vector<16xf32>
      %multiple_of3A_574 = arith.constant 96 : i32
      %multiple_of3A_575 = tpu.assume_multiple %multiple_of3A_574, 16 : i32
      %get3A_576 = arith.index_cast %multiple_of3A_575 : i32 to index
      %get3A_577 = tpu.vector_load %arg14[%get3A_576] {strides = array<i32>} : memref<128xi32, #tpu.memory_space<vmem>>, vector<16xi32>,
      %gather3A_578 = tpu.vector_load_idx %arg9[%add3A_410, %get3A_577] : memref<512x8xf32, #tpu.memory_space<vmem>>[vector<16xi32>, vector<16xi32>], vector<16xf32>,
      %add3A_579 = arith.constant 192 : i32
      %add3A_580 = arith.addi %add3A_579, %scan3A_403 : i32
      %mul3A_581 = arith.constant 16 : i32
      %mul3A_582 = arith.muli %add3A_580, %mul3A_581 : i32
      %multiple_of3A_583 = tpu.assume_multiple %mul3A_582, 16 : i32
      %get3A_584 = arith.index_cast %multiple_of3A_583 : i32 to index
      %get3A_585 = tpu.vector_load %arg11[%get3A_584] {strides = array<i32>} : memref<4096xf32, #tpu.memory_space<vmem>>, vector<16xf32>,
      %eq3A_586 = arith.cmpf oeq, %gather3A_578, %gather3A_578 : vector<16xf32>
      %neg3A_587 = arith.constant 0.000000e+00 : f32
      %neg3A_588 = vector.broadcast %neg3A_587 : f32 to vector<16xf32>
      %neg3A_589 = arith.subf %neg3A_588, %get3A_585 : vector<16xf32>
      %exp3A_590 = math.exp %neg3A_589 : vector<16xf32>
      %add3A_591 = arith.constant 1.000000e+00 : f32
      %add3A_592 = vector.broadcast %add3A_591 : f32 to vector<16xf32>
      %add3A_593 = arith.addf %add3A_592, %exp3A_590 : vector<16xf32>
      %div3A_594 = arith.constant 1.000000e+00 : f32
      %div3A_595 = vector.broadcast %div3A_594 : f32 to vector<16xf32>
      %div3A_596 = arith.divf %div3A_595, %add3A_593 : vector<16xf32>
      %jit3A_597 = arith.constant 0.000000e+00 : f32
      %broadcast_in_dim3A_598 = vector.broadcast %jit3A_597 : f32 to vector<16xf32>
      %select_n3A_599 = arith.select %eq3A_586, %div3A_596, %broadcast_in_dim3A_598 : vector<16xi1>, vector<16xf32>
      %mul3A_600 = arith.mulf %add3A_364, %select_n3A_599 : vector<16xf32>
      %add3A_601 = arith.addf %add3A_573, %mul3A_600 : vector<16xf32>
      %multiple_of3A_602 = arith.constant 112 : i32
      %multiple_of3A_603 = tpu.assume_multiple %multiple_of3A_602, 16 : i32
      %get3A_604 = arith.index_cast %multiple_of3A_603 : i32 to index
      %get3A_605 = tpu.vector_load %arg14[%get3A_604] {strides = array<i32>} : memref<128xi32, #tpu.memory_space<vmem>>, vector<16xi32>,
      %gather3A_606 = tpu.vector_load_idx %arg9[%add3A_410, %get3A_605] : memref<512x8xf32, #tpu.memory_space<vmem>>[vector<16xi32>, vector<16xi32>], vector<16xf32>,
      %add3A_607 = arith.constant 224 : i32
      %add3A_608 = arith.addi %add3A_607, %scan3A_403 : i32
      %mul3A_609 = arith.constant 16 : i32
      %mul3A_610 = arith.muli %add3A_608, %mul3A_609 : i32
      %multiple_of3A_611 = tpu.assume_multiple %mul3A_610, 16 : i32
      %get3A_612 = arith.index_cast %multiple_of3A_611 : i32 to index
      %get3A_613 = tpu.vector_load %arg11[%get3A_612] {strides = array<i32>} : memref<4096xf32, #tpu.memory_space<vmem>>, vector<16xf32>,
      %eq3A_614 = arith.cmpf oeq, %gather3A_606, %gather3A_606 : vector<16xf32>
      %neg3A_615 = arith.constant 0.000000e+00 : f32
      %neg3A_616 = vector.broadcast %neg3A_615 : f32 to vector<16xf32>
      %neg3A_617 = arith.subf %neg3A_616, %get3A_613 : vector<16xf32>
      %exp3A_618 = math.exp %neg3A_617 : vector<16xf32>
      %add3A_619 = arith.constant 1.000000e+00 : f32
      %add3A_620 = vector.broadcast %add3A_619 : f32 to vector<16xf32>
      %add3A_621 = arith.addf %add3A_620, %exp3A_618 : vector<16xf32>
      %div3A_622 = arith.constant 1.000000e+00 : f32
      %div3A_623 = vector.broadcast %div3A_622 : f32 to vector<16xf32>
      %div3A_624 = arith.divf %div3A_623, %add3A_621 : vector<16xf32>
      %jit3A_625 = arith.constant 0.000000e+00 : f32
      %broadcast_in_dim3A_626 = vector.broadcast %jit3A_625 : f32 to vector<16xf32>
      %select_n3A_627 = arith.select %eq3A_614, %div3A_624, %broadcast_in_dim3A_626 : vector<16xi1>, vector<16xf32>
      %mul3A_628 = arith.mulf %add3A_378, %select_n3A_627 : vector<16xf32>
      %add3A_629 = arith.addf %add3A_601, %mul3A_628 : vector<16xf32>
      %mul3A_630 = arith.constant 16 : i32
      %mul3A_631 = arith.muli %scan3A_403, %mul3A_630 : i32
      %multiple_of3A_632 = tpu.assume_multiple %mul3A_631, 16 : i32
      %max3A = arith.constant 0.000000e+00 : f32
      %max3A_633 = vector.broadcast %max3A : f32 to vector<16xf32>
      %max3A_634 = arith.maximumf %add3A_629, %max3A_633 : vector<16xf32>
      %min3A = arith.constant 1.000000e+00 : f32
      %min3A_635 = vector.broadcast %min3A : f32 to vector<16xf32>
      %min3A_636 = arith.minimumf %max3A_634, %min3A_635 : vector<16xf32>
      %swap3A = arith.index_cast %multiple_of3A_632 : i32 to index
      %swap3A_637 = tpu.vector_load %arg12[%swap3A] {strides = array<i32>} : memref<512xf32, #tpu.memory_space<vmem>>, vector<16xf32>,
      tpu.vector_store %arg12[%swap3A], %min3A_636 {strides = array<i32>} : memref<512xf32, #tpu.memory_space<vmem>>, vector<16xf32>,
      %scan3A_638 = arith.constant 0 : i32
      scf.yield %scan3A_638 : i32
    }
    %scan3A_399 = arith.constant 32 : i32
    "tpu.region"() ({
      %run_scoped3A = tpu.sem_alloc : memref<!tpu.dma_semaphore, #tpu.memory_space<semaphore_mem>>
      %dma_start3A_403 = tpu.memref_slice %arg6[%mul3A_2] : memref<16384xf32, #tpu.memory_space<hbm>> -> memref<512xf32, #tpu.memory_space<hbm>>
      %dma_start3A_404 = tpu.memref_slice %arg6[%mul3A_2] : memref<16384xf32, #tpu.memory_space<hbm>> -> memref<512xf32, #tpu.memory_space<hbm>>
      tpu.enqueue_dma source(%arg12 : memref<512xf32, #tpu.memory_space<vmem>>) target(%dma_start3A_404 : memref<512xf32, #tpu.memory_space<hbm>>) target_semaphore(%run_scoped3A : memref<!tpu.dma_semaphore, #tpu.memory_space<semaphore_mem>>)
      %dma_wait3A_405 = tpu.memref_slice %arg6[%mul3A_2] : memref<16384xf32, #tpu.memory_space<hbm>> -> memref<512xf32, #tpu.memory_space<hbm>>
      %dma_wait3A_406 = tpu.memref_slice %arg6[%mul3A_2] : memref<16384xf32, #tpu.memory_space<hbm>> -> memref<512xf32, #tpu.memory_space<hbm>>
      tpu.wait_dma2 semaphore(%run_scoped3A : memref<!tpu.dma_semaphore, #tpu.memory_space<semaphore_mem>>) src(%arg12 : memref<512xf32, #tpu.memory_space<vmem>>) dst(%dma_wait3A_406 : memref<512xf32, #tpu.memory_space<hbm>>)
      tpu.yield
    }) : () -> ()
    %eq3A_400 = arith.constant 0 : i32
    %eq3A_401 = arith.cmpi eq, %add3A, %eq3A_400 : i32
    %convert_element_type3A = arith.extui %eq3A_401 : i1 to i32
    %cond3A = arith.constant 0 : i32
    %cond3A_402 = arith.cmpi ne, %convert_element_type3A, %cond3A : i32
    scf.if %cond3A_402 {
      %lt3A = arith.constant 8 : i32
      %lt3A_403 = vector.broadcast %lt3A : i32 to vector<16xi32>
      %lt3A_404 = arith.cmpi slt, %iota3A, %lt3A_403 : vector<16xi32>
      %sub3A = arith.constant 1.000000e+00 : f32
      %sub3A_405 = vector.broadcast %sub3A : f32 to vector<16xf32>
      %sub3A_406 = arith.subf %get3A_271, %sub3A_405 : vector<16xf32>
      %max3A = arith.constant 0.000000e+00 : f32
      %max3A_407 = vector.broadcast %max3A : f32 to vector<16xf32>
      %max3A_408 = arith.maximumf %sub3A_406, %max3A_407 : vector<16xf32>
      %jit3A_409 = arith.constant 0.000000e+00 : f32
      %broadcast_in_dim3A_410 = vector.broadcast %jit3A_409 : f32 to vector<16xf32>
      %select_n3A_411 = arith.select %lt3A_404, %max3A_408, %broadcast_in_dim3A_410 : vector<16xi1>, vector<16xf32>
      %reduce_sum3A_412 = arith.constant true
      %reduce_sum3A_413 = vector.broadcast %reduce_sum3A_412 : i1 to vector<16xi1>
      %reduce_sum3A_414 = tpu.scan <sum>, %select_n3A_411 masked %reduce_sum3A_413 : vector<16xf32>, vector<16xi1> -> vector<16xf32>
      %reduce_sum3A_415 = vector.extract %reduce_sum3A_414[15] : f32 from vector<16xf32>
      %jit3A_416 = arith.constant 0.000000e+00 : f32
      %broadcast_in_dim3A_417 = vector.broadcast %jit3A_416 : f32 to vector<16xf32>
      %select_n3A_418 = arith.select %lt3A_404, %get3A_271, %broadcast_in_dim3A_417 : vector<16xi1>, vector<16xf32>
      %reduce_sum3A_419 = arith.constant true
      %reduce_sum3A_420 = vector.broadcast %reduce_sum3A_419 : i1 to vector<16xi1>
      %reduce_sum3A_421 = tpu.scan <sum>, %select_n3A_418 masked %reduce_sum3A_420 : vector<16xf32>, vector<16xi1> -> vector<16xf32>
      %reduce_sum3A_422 = vector.extract %reduce_sum3A_421[15] : f32 from vector<16xf32>
      %eq3A_423 = arith.constant 8 : i32
      %eq3A_424 = vector.broadcast %eq3A_423 : i32 to vector<16xi32>
      %eq3A_425 = arith.cmpi eq, %iota3A, %eq3A_424 : vector<16xi32>
      %jit3A_426 = arith.constant 0.000000e+00 : f32
      %broadcast_in_dim3A_427 = vector.broadcast %jit3A_426 : f32 to vector<16xf32>
      %select_n3A_428 = arith.select %eq3A_425, %get3A_271, %broadcast_in_dim3A_427 : vector<16xi1>, vector<16xf32>
      %reduce_sum3A_429 = arith.constant true
      %reduce_sum3A_430 = vector.broadcast %reduce_sum3A_429 : i1 to vector<16xi1>
      %reduce_sum3A_431 = tpu.scan <sum>, %select_n3A_428 masked %reduce_sum3A_430 : vector<16xf32>, vector<16xi1> -> vector<16xf32>
      %reduce_sum3A_432 = vector.extract %reduce_sum3A_431[15] : f32 from vector<16xf32>
      %sub3A_433 = arith.subf %reduce_sum3A_432, %reduce_sum3A_422 : f32
      %max3A_434 = arith.constant 0.000000e+00 : f32
      %max3A_435 = arith.maximumf %sub3A_433, %max3A_434 : f32
      %add3A_436 = arith.addf %reduce_sum3A_415, %max3A_435 : f32
      %broadcast_in_dim3A_437 = arith.constant 0.000000e+00 : f32
      %broadcast_in_dim3A_438 = vector.broadcast %broadcast_in_dim3A_437 : f32 to vector<16xf32>
      %add3A_439 = vector.broadcast %add3A_436 : f32 to vector<16xf32>
      %add3A_440 = arith.addf %broadcast_in_dim3A_438, %add3A_439 : vector<16xf32>
      %swap3A = arith.constant 0 : index
      %swap3A_441 = tpu.vector_load %arg15[%swap3A] {strides = array<i32>} : memref<16xf32, #tpu.memory_space<vmem>>, vector<16xf32>,
      tpu.vector_store %arg15[%swap3A], %add3A_440 {strides = array<i32>} : memref<16xf32, #tpu.memory_space<vmem>>, vector<16xf32>,
      "tpu.region"() ({
        %run_scoped3A = tpu.sem_alloc : memref<!tpu.dma_semaphore, #tpu.memory_space<semaphore_mem>>
        tpu.enqueue_dma source(%arg15 : memref<16xf32, #tpu.memory_space<vmem>>) target(%arg7 : memref<16xf32, #tpu.memory_space<hbm>>) target_semaphore(%run_scoped3A : memref<!tpu.dma_semaphore, #tpu.memory_space<semaphore_mem>>)
        tpu.wait_dma2 semaphore(%run_scoped3A : memref<!tpu.dma_semaphore, #tpu.memory_space<semaphore_mem>>) src(%arg15 : memref<16xf32, #tpu.memory_space<vmem>>) dst(%arg7 : memref<16xf32, #tpu.memory_space<hbm>>)
        tpu.yield
      }) : () -> ()
    } else {
    }
    return
  }
}

</mosaic_0001>

<sc_bundles>
// kernel: _sc_call.3.cloned.1.call-start
scs
__scs_entry_jumppad:
0x0: {  	(pc) =	sbr.rel $0x88, $3  }
0x1: {  	(tag) =	ssettag $0x0;
	lr =	simm.s32 $0x1  }
0x2: {  	[smem:$0x3F9D] =	sst lr;
	_ =	strace $0xD0000000  }
0x3: {  	_ = 	snop  }
0x4: {  	_ = 	snop  }
0x5: {  	_ = 	snop  }
0x6: {  	_ = 	snop  }
0x7: {  	_ = 	snop  }
__scs_overlays_trampoline_lowered:
0x8: {  	[smem:$0x3FAC] =	sst s0  }
0x9: {  	[smem:$0x3FAD] =	sst s1  }
0xa: {  	[smem:$0x3FAE] =	sst s2  }
0xb: {  	[smem:$0x3FAF] =	sst s3  }
0xc: {  	[smem:$0x3FB0] =	sst s4  }
0xd: {  	[smem:$0x3FB1] =	sst s5  }
0xe: {  	[smem:$0x3FB2] =	sst s6  }
0xf: {  	[smem:$0x3FB3] =	sst s7  }
0x10: {  	[smem:$0x3FB4] =	sst s8  }
0x11: {  	[smem:$0x3FB5] =	sst s9;
	s0 =	simm.s32 @!p0 $0x0  }
0x12: {  	s1 =	sld [smem:$0x3F9B];
	s0 =	simm.s32 @p0 $0x1  }
0x13: {  	[smem:$0x3FB6] =	sst s0;
	s0 =	simm.s32 @!p1 $0x0  }
0x14: {  	s2 =	sld [smem:$0x3F9A];
	s0 =	simm.s32 @p1 $0x1  }
0x15: {  	[smem:$0x3FB7] =	sst s0;
	s0 =	simm.s32 @!p2 $0x0  }
0x16: {  	s3 =	sld [smem:$0x3FDB];
	s0 =	simm.s32 @p2 $0x1  }
0x17: {  	s4 =	simm.s32 $0x1BF5;
	[smem:$0x3FB9] =	sst s0  }
0x18: {  	s0 =	sld [smem:$0x3F9C];
	_ =	swait.ge [sflag:s4], $0x0  }
0x19: {  	s7 =	sld [smem:$0x3F9D]  }
0x1a: {  	s8 =	sadd.s32 $0xFFFFE003, lr  }
0x1b: {  	s9 =	sadd.s32 $0xFFFFFEF7, lr;
	s5 =	simm.s32 $0xFFFFFFFF;
	p2 =	slt.u32 s8, $0xFFFFF086  }
0x1c: {  	p1 =	slt.u32 s9, $0xF7A;
	s5 =	simm.s32 @!p2 $0x0  }
0x1d: {  	s5 =	simm.s32 @p1 $0x1;
	p0 =	seq.s32 s7, s2  }
0x1e: {  	s7 =	smul.u32 @!p0 $0xF7A, s2;
	p2 =	seq.s32 @!p0 s5, $0x0  }
0x1f: {  	s9 =	smul.u32 $0xF7A, s1;
	s8 =	simm.s32 @!p0 $0x1BF5;
	p2 =	por !p2, p0  }
0x20: {  	[sflag:s8] =	ssyncset.s32 @!p0 $0xFFFFF086;
	s6 =	sadd.s32 @!p0 s3, s7;
	s7 =	simm.s32 @!p0 $0x108  }
0x21: {  	s3 =	sadd.s32 s3, s9;
	s6 =	sadd.s32 @!p0 $0x88, s6;
	s7 =	simm.s32 @p2 $0x1082  }
0x22: {  	[simem:s7], [sflag:s8] =	dma.local @!p0 [hbm:s6], $0xF7A  }
0x23: {  	s9 =	sor.u32 $0xD0000000, s2;
	s6 =	simm.s32 $0x108;
	_ =	swait.ge @!p0 [sflag:s8], $0x0  }
0x24: {  	s3 =	sadd.s32 $0x88, s3;
	s6 =	simm.s32 @!p1 $0x1082;
	[sflag:s4] =	ssyncset.s32 $0xFFFFF086  }
0x25: {  	[simem:s6], [sflag:s4] =	dma.local [hbm:s3], $0xF7A  }
0x26: {  	[smem:$0x3F9D] =	sst s1;
	(tag) =	ssettag s2;
	_ =	strace s9  }
0x27: {  	s1 =	sld [smem:$0x3FAD]  }
0x28: {  	s2 =	sld [smem:$0x3FAE]  }
0x29: {  	s4 =	sld [smem:$0x3FB0]  }
0x2a: {  	p0 =	seq.s32 s5, $0x0;
	s5 =	sld [smem:$0x3FB1]  }
0x2b: {  	s6 =	sld [smem:$0x3FB2]  }
0x2c: {  	s7 =	sld [smem:$0x3FB3]  }
0x2d: {  	s3 =	simm.s32 $0x108;
	s8 =	sld [smem:$0x3FB4]  }
0x2e: {  	s3 =	simm.s32 @!p0 $0x1082;
	s9 =	sld [smem:$0x3FB5]  }
0x2f: {  	lr =	sadd.s32 s0, s3;
	s0 =	sld [smem:$0x3FAC]  }
0x30: {  	s3 =	sld [smem:$0x3FAF]  }
0x31: {  	[smem:$0x3FB8] =	sst s10  }
0x32: {  	s10 =	sld [smem:$0x3FB6];
	_ =	sdelay $0x3  }
0x33: {  	p0 =	seq.s32 s10, $0x1;
	s10 =	sld [smem:$0x3FB8];
	_ =	sdelay $0x3  }
0x34: {  	[smem:$0x3FB8] =	sst s10  }
0x35: {  	s10 =	sld [smem:$0x3FB7];
	_ =	sdelay $0x3  }
0x36: {  	p1 =	seq.s32 s10, $0x1;
	s10 =	sld [smem:$0x3FB8];
	_ =	sdelay $0x3  }
0x37: {  	[smem:$0x3FB8] =	sst s10  }
0x38: {  	s10 =	sld [smem:$0x3FB9]  }
0x39: {  	_ = 	snop;
	(pc) =	sbr.ind lr, $3  }
0x3a: {  	_ = 	snop  }
0x3b: {  	_ = 	snop  }
0x3c: {  	p2 =	seq.s32 s10, $0x1;
	s10 =	sld [smem:$0x3FB8]  }
0x3d: {  	_ =	shalt  }
0x3e: {  	_ =	shalt  }
0x3f: {  	_ =	shalt  }
0x40: {  	_ =	shalt  }
0x41: {  	_ =	shalt  }
0x42: {  	_ =	shalt  }
0x43: {  	_ =	shalt  }
0x44: {  	_ =	shalt  }
0x45: {  	_ =	shalt  }
0x46: {  	_ =	shalt  }
0x47: {  	_ =	shalt  }
0x48: {  	_ =	shalt  }
0x49: {  	_ =	shalt  }
0x4a: {  	_ =	shalt  }
0x4b: {  	_ =	shalt  }
0x4c: {  	_ =	shalt  }
0x4d: {  	_ =	shalt  }
0x4e: {  	_ =	shalt  }
0x4f: {  	_ =	shalt  }
0x50: {  	_ =	shalt  }
0x51: {  	_ =	shalt  }
0x52: {  	_ =	shalt  }
0x53: {  	_ =	shalt  }
0x54: {  	_ =	shalt  }
0x55: {  	_ =	shalt  }
0x56: {  	_ =	shalt  }
0x57: {  	_ =	shalt  }
0x58: {  	_ =	shalt  }
0x59: {  	_ =	shalt  }
0x5a: {  	_ =	shalt  }
0x5b: {  	_ =	shalt  }
0x5c: {  	_ =	shalt  }
0x5d: {  	_ =	shalt  }
0x5e: {  	_ =	shalt  }
0x5f: {  	_ =	shalt  }
0x60: {  	_ =	shalt  }
0x61: {  	_ =	shalt  }
0x62: {  	_ =	shalt  }
0x63: {  	_ =	shalt  }
0x64: {  	_ =	shalt  }
0x65: {  	_ =	shalt  }
0x66: {  	_ =	shalt  }
0x67: {  	_ =	shalt  }
0x68: {  	_ =	shalt  }
0x69: {  	_ =	shalt  }
0x6a: {  	_ =	shalt  }
0x6b: {  	_ =	shalt  }
0x6c: {  	_ =	shalt  }
0x6d: {  	_ =	shalt  }
0x6e: {  	_ =	shalt  }
0x6f: {  	_ =	shalt  }
0x70: {  	_ =	shalt  }
0x71: {  	_ =	shalt  }
0x72: {  	_ =	shalt  }
0x73: {  	_ =	shalt  }
0x74: {  	_ =	shalt  }
0x75: {  	_ =	shalt  }
0x76: {  	_ =	shalt  }
0x77: {  	_ =	shalt  }
0x78: {  	_ =	shalt  }
0x79: {  	_ =	shalt  }
0x7a: {  	_ =	shalt  }
0x7b: {  	_ =	shalt  }
0x7c: {  	_ =	shalt  }
0x7d: {  	_ =	shalt  }
0x7e: {  	_ =	shalt  }
0x7f: {  	_ =	shalt  }
0x80: {  	_ =	shalt  }
0x81: {  	_ =	shalt  }
0x82: {  	_ =	shalt  }
0x83: {  	_ =	shalt  }
0x84: {  	_ =	shalt  }
0x85: {  	_ =	shalt  }
0x86: {  	_ =	shalt  }
0x87: {  	_ =	shalt  }
.Lfunc_end0:
.L_simem_size_0:
called_computation_lowered:
.L_overlay_start_0:
0x88: {  	s2 =	sld [smem:$0x3FD9]  }
0x89: {  	s3 =	sld [smem:$0x3FFE];
	_ =	sdelay $0x1  }
0x8a: {  	s1 =	srdreg.scid  }
0x8b: {  	s0 =	sand.u32 $0x1, s1  }
0x8c: {  	s14 =	sshll.u32 s0, $0xA;
	s2 =	sadd.s32 s3, s2  }
0x8d: {  	s2 =	sadd.s32 s2, s14  }
0x8e: {  	[smem:$0x3FC4] =	sst s2  }
0x8f: {  	_ = 	snop  }
0x90: {  	s2 =	sld [smem:$0x3FD0];
	_ =	sdelay $0x1  }
0x91: {  	s15 =	sld [smem:$0x3FC9]  }
0x92: {  	s5 =	simm.s32 $0xA;
	s6 =	simm.s32 $0x10;
	s4 =	sld [smem:$0x3FC6]  }
0x93: {  	[smem:s6], [sflag:s5] =	dma.local [hbm:s2], $0x1  }
0x94: {  	_ =	swait.eq [sflag:s5], $0x1  }
0x95: {  	[sflag:s5] =	ssyncset.done $0x0  }
0x96: {  	s16 =	sld [smem:$0x10];
	[sflag:s5] =	ssyncadd.s32 $0xFFFFFFFF  }
0x97: {  	s17 =	sld [smem:$0x11];
	(tm) =	ssettm $0x1  }
0x98: {  	s18 =	sld [smem:$0x3FFB];
	_ =	sdelay $0x3  }
0x99: {  	_ =	strace s18  }
0x9a: {  	s6 =	sld [smem:$0x3FFC];
	_ =	sdelay $0x3  }
0x9b: {  	_ =	strace s6  }
0x9c: {  	s6 =	sld [smem:$0x3FFD];
	_ =	sdelay $0x3  }
0x9d: {  	_ =	strace s6  }
0x9e: {  	_ =	strace $0x8FFFFFFF  }
0x9f: {  	s19 =	sld [smem:$0x3FDB];
	_ =	sdelay $0x1  }
0xa0: {  	s7 =	simm.s32 $_scs_section_size  }
0xa1: {  	s8 =	simm.s32 $_size__tile_overlayer_lowered;
	s9 =	simm.s32 $_tile_overlayer_lowered  }
0xa2: {  	s22 =	simm.s32 $0x1BFF;
	s21 =	sshll.u32 s9, $0x1;
	s6 =	sadd.s32 s7, s19  }
0xa3: {  	s10 =	simm.s32 $0x0;
	s20 =	sshll.u32 s8, $0x1;
	s8 =	sadd.s32 s21, s6  }
0xa4: {  	[timem:s10], [sflag:s22] =	dma.local [hbm:s8], s20  }
0xa5: {  	_ =	swait.ge [sflag:s22], s20  }
0xa6: {  	s7 =	ssub.s32 $0x0, s20;
	[sflag:s22] =	ssyncset.done $0x0  }
0xa7: {  	[sflag:s22] =	ssyncadd.s32 s7;
	_ =	sdelay $0x1  }
0xa8: {  	s23 =	simm.s32 $0x1B8B  }
0xa9: {  	_ =	swait.ge [sflag:s23], $0x1  }
0xaa: {  	[sflag:s23] =	ssyncset.done $0x0  }
0xab: {  	s25 =	simm.s32 $0x1B8E;
	s24 =	sld [smem:$0x3FFE];
	[sflag:s23] =	ssyncadd.s32 $0xFFFFFFFF  }
0xac: {  	s26 =	simm.s32 $execute0_lowered;
	[smem:$0x3FD2] =	sst s25  }
0xad: {  	s8 =	sshll.u32 s26, $0x1;
	_ =	strace $0x80000046;
	[dreg:$0x1] =	wrdreg $0xFFFFFFFF  }
0xae: {  	s28 =	simm.s32 $_size_execute0_lowered;
	s6 =	sadd.s32 s6, s8;
	[dreg:$0x0] =	wrdreg $0x0  }
0xaf: {  	s8 =	sshll.u32 s28, $0x1;
	[dreg:$0x2] =	wrdreg s6  }
0xb0: {  	[dreg:$0x3] =	wrdreg s8  }
0xb1: {  	[dreg:$0x4] =	wrdreg $0xC0  }
0xb2: {  	_ =	task [dreg:s10], $0x5FFFF  }
0xb3: {  	[dreg:$0x1] =	wrdreg $0xFFFFFFFF  }
0xb4: {  	[dreg:$0x0] =	wrdreg $0x60  }
0xb5: {  	[dreg:$0x2] =	wrdreg s15  }
0xb6: {  	[dreg:$0x3] =	wrdreg s24  }
0xb7: {  	[dreg:$0x4] =	wrdreg s4  }
0xb8: {  	[dreg:$0x5] =	wrdreg s16  }
0xb9: {  	[dreg:$0x6] =	wrdreg s17  }
0xba: {  	[dreg:$0x7] =	wrdreg $0x9  }
0xbb: {  	_ =	task.clear_ibuf [dreg:s10], $0x8FFFF;
	_ =	strace $0x90000046  }
0xbc: {  	s29 =	simm.s32 $0x9;
	_ =	strace $0x80000048  }
0xbd: {  	_ =	swait.ge [sflag:s29], $0x1  }
0xbe: {  	[sflag:s29] =	ssyncadd.s32 $0xFFFFFFFF  }
0xbf: {  	_ =	strace $0x90000048  }
0xc0: {  	_ =	sfence  }
0xc1: {  	s30 =	sld [smem:$0x0];
	_ =	sdelay $0x2  }
0xc2: {  	s31 =	sshll.u32 s1, $0xD;
	s1 =	sshrl.u32 s1, $0x2  }
0xc3: {  	s3 =	sand.u32 $0x4000, s31;
	s1 =	sadd.s32 s1, s30  }
0xc4: {  	s0 =	sor.u32 s3, s0;
	s1 =	sshll.u32 s1, $0x11  }
0xc5: {  	s0 =	sor.u32 s1, s0  }
0xc6: {  	s0 =	sadd.s32 $0x8F2B, s0  }
0xc7: {  	[sflag:s0] =	ssyncadd.remote.s32 $0x1  }
0xc8: {  	_ =	sfence.sel $0xFFFF  }
0xc9: {  	[dreg:$0x0] =	wrdreg $0xFFFFFFFF;
	(pc) =	sbr.abs _section_cstart, $3  }
0xca: {  	[dreg:$0x1] =	wrdreg $0xFFFFFFFF  }
0xcb: {  	_ =	task.clear_ibuf [dreg:s10], $0x2FFFF;
	_ =	strace $0x9FFFFFFF  }
0xcc: {  	(tm) =	ssettm $0x7FFFFFFF  }
0xcd: {  	_ =	shalt  }
tec
execute0_lowered:
.L_overlay_start_1:
0x0: {  	(tag) =	ssettag $0x1  }
0x1: {  	s0 =	rddreg [dreg:$0x0]  }
0x2: {  	s1 =	rddreg [dreg:$0x1]  }
0x3: {  	s2 =	rddreg [dreg:$0x3];
	s4 =	simm.s32 $0x0  }
0x4: {  	s3 =	srdreg.scid;
	s5 =	stileid.u32;
	s17 =	simm.s32 $0x3  }
0x5: {  	s19 =	simm.s32 $0x200;
	s20 =	simm.s32 $0x1;
	s21 =	simm.s32 $0x1200  }
0x6: {  	s18 =	simm.s32 $0x2000;
	s22 =	simm.s32 $0x3000;
	s23 =	simm.s32 $0x2  }
0x7: {  	s24 =	simm.s32 $0x3200;
	s25 =	simm.s32 $0x0;
	[smem:$0x7FF] =	sst s4  }
0x8: {  	s3 =	sand.u32 $0x1, s3;
	s5 =	sshll.u32 s5, $0x1;
	s6 =	sadd.s32 $0x600, s1  }
0x9: {  	v0 =	vimm.s32 $0x0;
	v1 =	vimm.s32 $0x1;
	v2 =	vimm.s32 $0x2;
	s9 =	sadd.s32 $0x3D690, s1;
	s10 =	sadd.s32 $0x5BED8, s1;
	s11 =	sadd.s32 $0x7A720, s1  }
0xa: {  	v3 =	vimm.s32 $0x3;
	v4 =	vimm.s32 $0x4;
	v5 =	vimm.s32 $0x5;
	s12 =	sadd.s32 $0x98F68, s1;
	s13 =	sadd.s32 $0xB77B0, s1;
	s14 =	sadd.s32 $0xD5FF8, s1  }
0xb: {  	v6 =	vimm.s32 $0x6;
	v7 =	vimm.s32 $0x7;
	v8 =	vlaneseq.u32;
	_ =	strace $0x80000047;
	s7 =	ssub.s32 $0x2, s3;
	s3 =	sor.u32 s3, s5  }
0xc: {  	vm0 =	vmmov $0xffff;
	vm1 =	vmmov $0x1;
	vm2 =	vcmask $0x308;
	s5 =	sadd.s32 $0x1F79200, s1;
	s8 =	sshrl.u32 s7, $0x1;
	s15 =	sshll.u32 s3, $0x6  }
0xd: {  	vm3 =	vcmask $0x70C;
	vm4 =	vcmask $0xB10;
	vm5 =	vcmask $0xF14;
	p0 =	sne.s32 s3, $0x0;
	s3 =	simm.s32 $0x2E00;
	s16 =	ssub.s32 s7, s8  }
0xe: {  	vm6 =	vcmask $0x1318;
	vm7 =	vcmask $0x171C;
	vm8 =	vcmask $0x1B20;
	s7 =	sadd.s32 s0, s15;
	s8 =	sadd.s32 $0x1EE48, s1;
	s15 =	sadd.s32 s2, s15  }
0xf: {  	vm9 =	vcmask $0x1F24;
	v8 =	vmul.u32 $0x8, v8;
	s2 =	simm.s32 $0x2C00;
	s1 =	simm.s32 $0x1E00;
	vm10 =	vmmov @!p0 $0xff;
	s16 =	smax.u32 s16, $0x1  }
.LBB2_1:
0x10: {  	[tilespmem:s4], [sflag:$0x3] =	stream.linear.gather [hbm4b:s7+s4], $0x200, $0x38;
	[tilespmem:$0x34A0] =	vst v63  }
0x11: {  	_ =	swait.ge [sflag:s17], $0x200  }
0x12: {  	[sflag:s17] =	ssyncset.done $0x0  }
0x13: {  	[sflag:s17] =	ssyncadd.s32 $0xFFFFFE00  }
0x14: {  	s26 =	simm.s32 $0x3400;
	s0 =	rddreg [dreg:$0x2]  }
0x15: {  	[tilespmem:s26], [sflag:$0x3] =	stream.linear.gather [hbm4b:s0+s4], $0x10, $0x38;
	[tilespmem:$0x34A0] =	vst v63  }
0x16: {  	_ =	swait.ge [sflag:s17], $0x10  }
0x17: {  	[sflag:s17] =	ssyncset.done $0x0  }
0x18: {  	[sflag:s17] =	ssyncadd.s32 $0xFFFFFFF0  }
0x19: {  	[tilespmem:$0x3410] =	vst v0  }
0x1a: {  	[tilespmem:$0x3420] =	vst v1  }
0x1b: {  	[tilespmem:$0x3430] =	vst v2  }
0x1c: {  	[tilespmem:$0x3440] =	vst v3  }
0x1d: {  	[tilespmem:$0x3450] =	vst v4  }
0x1e: {  	[tilespmem:$0x3460] =	vst v5  }
0x1f: {  	[tilespmem:$0x3470] =	vst v6  }
0x20: {  	[tilespmem:$0x3480] =	vst v7  }
0x21: {  	[tilespmem:s19], [sflag:$0x1] =	stream.indirect.gather [hbm4b:s5+s19], $0x8, s4, s19, $0xb8;
	[tilespmem:$0x34A0] =	vst v63  }
0x22: {  	_ =	swait.ge [sflag:s20], $0x1000  }
0x23: {  	[sflag:s20] =	ssyncset.done $0x0  }
0x24: {  	[sflag:s20] =	ssyncadd.s32 $0xFFFFF000  }
0x25: {  	v9 =	vld [tilespmem:$0x3410];
	_ =	sdelay $0x2  }
0x26: {  	v10 =	vmov s4  }
0x27: {  	v10 =	vshll.u32 v10, $0x3  }
0x28: {  	v10 =	vor.u32 v8, v10;
	v11 =	vand.u32 $0xFFFFFFF8, v9  }
0x29: {  	v9 =	vand.u32 $0x7, v9;
	v10 =	vadd.s32 v10, v11  }
0x2a: {  	v9 =	vor.u32 v9, v10;
	_ =	sdelay $0x4  }
0x2b: {  	v9 =	vld.idx.msk [tilespmem:v9+s19+$0x0], $0xffff;
	_ =	sdelay $0x4  }
0x2c: {  	vm11 =	veq.f32 v9, v9  }
0x2d: {  	vm11 =	vmand vm11, vm0  }
0x2e: {  	v9 =	vnsel vm11, $0x0, v9  }
0x2f: {  	v9 =	vtrunc.f32 v9  }
0x30: {  	v9 =	vcvt.f32.s32 v9;
	_ =	sdelay $0x1  }
0x31: {  	[tilespmem:s21+$0x0] =	vst v9  }
0x32: {  	s28 =	simm.s32 $0x10;
	s29 =	simm.s32 $0x20;
	s26 =	simm.s32 $0x1200;
	v9 =	vld [tilespmem:$0x3410]  }
.LBB2_2:
0x33: {  	p1 =	sne.s32 s29, $0x1F0;
	_ =	sdelay $0x1  }
0x34: {  	v10 =	vmov s28;
	s28 =	smov.u32 s29  }
0x35: {  	v10 =	vshll.u32 v10, $0x3  }
0x36: {  	v10 =	vor.u32 v8, v10;
	v11 =	vand.u32 $0xFFFFFFF8, v9  }
0x37: {  	v9 =	vand.u32 $0x7, v9;
	v10 =	vadd.s32 v10, v11  }
0x38: {  	v9 =	vor.u32 v9, v10;
	_ =	sdelay $0x4  }
0x39: {  	v9 =	vld.idx.msk [tilespmem:v9+s19+$0x0], $0xffff;
	_ =	sdelay $0x5  }
0x3a: {  	vm11 =	veq.f32 v9, v9  }
0x3b: {  	vm11 =	vmand vm11, vm0  }
0x3c: {  	v9 =	vnsel vm11, $0x0, v9  }
.Ltmp0:
0x3d: {  	v9 =	vtrunc.f32 v9;
	(pc) =	sbr.rel @p1 .LBB2_2-.Ltmp0, $4  }
0x3e: {  	v9 =	vcvt.f32.s32 v9  }
0x3f: {  	s26 =	sadd.s32 $0x10, s26  }
0x40: {  	[tilespmem:s26+$0x0] =	vst v9  }
0x41: {  	s29 =	sadd.s32 $0x10, s29;
	v9 =	vld [tilespmem:$0x3410]  }
0x42: {  	_ =	sdelay $0x1  }
0x43: {  	v10 =	vmov s28  }
0x44: {  	v10 =	vshll.u32 v10, $0x3  }
0x45: {  	v10 =	vor.u32 v8, v10;
	v11 =	vand.u32 $0xFFFFFFF8, v9  }
0x46: {  	v9 =	vand.u32 $0x7, v9;
	v10 =	vadd.s32 v10, v11  }
0x47: {  	v9 =	vor.u32 v9, v10;
	_ =	sdelay $0x4  }
0x48: {  	v9 =	vld.idx.msk [tilespmem:v9+s19+$0x0], $0xffff;
	_ =	sdelay $0x4  }
0x49: {  	vm11 =	veq.f32 v9, v9  }
0x4a: {  	vm11 =	vmand vm11, vm0  }
0x4b: {  	v9 =	vnsel vm11, $0x0, v9  }
0x4c: {  	v9 =	vtrunc.f32 v9  }
0x4d: {  	v9 =	vcvt.f32.s32 v9  }
0x4e: {  	s26 =	sadd.s32 $0x10, s26;
	s28 =	simm.s32 $0x10  }
0x4f: {  	s0 =	simm.s32 $0x2200;
	s28 =	sand.u32 $0x3FFFFFF0, s28;
	[tilespmem:s26+$0x0] =	vst v9;
	s26 =	simm.s32 $0x200  }
0x50: {  	[tilespmem:s0], [sflag:$0x2] =	stream.indirect.gather [hbm4b:s6+s26], $0x1, s21, s26, $0xb8;
	[tilespmem:$0x34A0] =	vst v63  }
0x51: {  	s29 =	simm.s32 $0x200;
	v9 =	vld [tilespmem:s28+$0x3410]  }
0x52: {  	s28 =	sand.u32 $0xFFFFFE00, s29  }
0x53: {  	s28 =	ssub.s32 $0x200, s28  }
0x54: {  	v10 =	vmov s28  }
0x55: {  	v10 =	vshll.u32 v10, $0x3  }
0x56: {  	v10 =	vor.u32 v8, v10;
	v11 =	vand.u32 $0xFFFFFFF8, v9  }
0x57: {  	v9 =	vand.u32 $0x7, v9;
	v10 =	vadd.s32 v10, v11  }
0x58: {  	v9 =	vor.u32 v9, v10;
	_ =	sdelay $0x4  }
0x59: {  	v9 =	vld.idx.msk [tilespmem:v9+s19+$0x0], $0xffff;
	_ =	sdelay $0x4  }
0x5a: {  	vm11 =	veq.f32 v9, v9  }
0x5b: {  	vm11 =	vmand vm11, vm0  }
0x5c: {  	v9 =	vnsel vm11, $0x0, v9  }
0x5d: {  	v9 =	vtrunc.f32 v9  }
0x5e: {  	s31 =	simm.s32 $0x10;
	v9 =	vcvt.f32.s32 v9  }
0x5f: {  	s30 =	simm.s32 $0x22;
	s29 =	simm.s32 $0x21;
	s28 =	simm.s32 $0x1400  }
.LBB2_4:
0x60: {  	p1 =	sne.s32 s30, $0x3F;
	s31 =	sand.u32 $0x3FFFFFF0, s31;
	[tilespmem:s28+$0x0] =	vst v9  }
0x61: {  	s0 =	sshll.u32 s29, $0x4;
	s29 =	smov.u32 s30;
	v9 =	vld [tilespmem:s31+$0x3410]  }
0x62: {  	s26 =	sadd.s32 $0x10, s26;
	s0 =	sand.u32 $0xFFFFFE00, s0  }
0x63: {  	s0 =	ssub.s32 s26, s0  }
0x64: {  	v10 =	vmov s0  }
0x65: {  	v10 =	vshll.u32 v10, $0x3  }
0x66: {  	v10 =	vor.u32 v8, v10;
	v11 =	vand.u32 $0xFFFFFFF8, v9  }
0x67: {  	v9 =	vand.u32 $0x7, v9;
	v10 =	vadd.s32 v10, v11  }
0x68: {  	v9 =	vor.u32 v9, v10;
	_ =	sdelay $0x4  }
0x69: {  	v9 =	vld.idx.msk [tilespmem:v9+s19+$0x0], $0xffff;
	_ =	sdelay $0x5  }
0x6a: {  	vm11 =	veq.f32 v9, v9  }
.Ltmp1:
0x6b: {  	vm11 =	vmand vm11, vm0;
	(pc) =	sbr.rel @p1 .LBB2_4-.Ltmp1, $4  }
0x6c: {  	v9 =	vnsel vm11, $0x0, v9  }
0x6d: {  	v9 =	vtrunc.f32 v9  }
0x6e: {  	v9 =	vcvt.f32.s32 v9  }
0x6f: {  	s30 =	sadd.s32 $0x1, s30;
	s28 =	sadd.s32 $0x10, s28;
	s31 =	sshrl.u32 s29, $0x1  }
0x70: {  	s0 =	sand.u32 $0x3FFFFFF0, s31;
	[tilespmem:s28+$0x0] =	vst v9  }
0x71: {  	s29 =	sshll.u32 s29, $0x4;
	v9 =	vld [tilespmem:s0+$0x3410]  }
0x72: {  	s26 =	sadd.s32 $0x10, s26;
	s0 =	sand.u32 $0xFFFFFE00, s29  }
0x73: {  	s0 =	ssub.s32 s26, s0  }
0x74: {  	v10 =	vmov s0  }
0x75: {  	v10 =	vshll.u32 v10, $0x3  }
0x76: {  	v10 =	vor.u32 v8, v10;
	v11 =	vand.u32 $0xFFFFFFF8, v9  }
0x77: {  	v9 =	vand.u32 $0x7, v9;
	v10 =	vadd.s32 v10, v11  }
0x78: {  	v9 =	vor.u32 v9, v10;
	_ =	sdelay $0x4  }
0x79: {  	v9 =	vld.idx.msk [tilespmem:v9+s19+$0x0], $0xffff;
	_ =	sdelay $0x4  }
0x7a: {  	vm11 =	veq.f32 v9, v9  }
0x7b: {  	vm11 =	vmand vm11, vm0  }
0x7c: {  	v9 =	vnsel vm11, $0x0, v9  }
0x7d: {  	v9 =	vtrunc.f32 v9  }
0x7e: {  	v9 =	vcvt.f32.s32 v9  }
0x7f: {  	s26 =	sadd.s32 $0x10, s28  }
0x80: {  	s0 =	simm.s32 $0x1400;
	[tilespmem:s26+$0x0] =	vst v9;
	s26 =	simm.s32 $0x2400  }
0x81: {  	[tilespmem:s26], [sflag:$0x2] =	stream.indirect.gather [hbm4b:s8+s19], $0x1, s0, s19, $0xb8;
	[tilespmem:$0x34A0] =	vst v63  }
0x82: {  	s26 =	simm.s32 $0x20  }
0x83: {  	s0 =	sand.u32 $0x3FFFFFF0, s26  }
0x84: {  	s26 =	simm.s32 $0x400;
	v9 =	vld [tilespmem:s0+$0x3410]  }
0x85: {  	s26 =	sand.u32 $0xFFFFFE00, s26  }
0x86: {  	s0 =	ssub.s32 $0x400, s26  }
0x87: {  	v10 =	vmov s0  }
0x88: {  	v10 =	vshll.u32 v10, $0x3  }
0x89: {  	v10 =	vor.u32 v8, v10;
	v11 =	vand.u32 $0xFFFFFFF8, v9  }
0x8a: {  	v9 =	vand.u32 $0x7, v9;
	v10 =	vadd.s32 v10, v11  }
0x8b: {  	v9 =	vor.u32 v9, v10;
	_ =	sdelay $0x4  }
0x8c: {  	v9 =	vld.idx.msk [tilespmem:v9+s19+$0x0], $0xffff;
	_ =	sdelay $0x4  }
0x8d: {  	vm11 =	veq.f32 v9, v9  }
0x8e: {  	vm11 =	vmand vm11, vm0  }
0x8f: {  	v9 =	vnsel vm11, $0x0, v9  }
0x90: {  	v9 =	vtrunc.f32 v9  }
0x91: {  	s31 =	simm.s32 $0x20;
	s30 =	simm.s32 $0x42;
	v9 =	vcvt.f32.s32 v9  }
0x92: {  	s29 =	simm.s32 $0x41;
	s28 =	simm.s32 $0x400;
	s26 =	simm.s32 $0x1600  }
.LBB2_6:
0x93: {  	p1 =	sne.s32 s30, $0x5F;
	s0 =	sand.u32 $0x3FFFFFF0, s31;
	[tilespmem:s26+$0x0] =	vst v9  }
0x94: {  	s31 =	sshll.u32 s29, $0x4;
	s29 =	smov.u32 s30;
	v9 =	vld [tilespmem:s0+$0x3410]  }
0x95: {  	s28 =	sadd.s32 $0x10, s28;
	s0 =	sand.u32 $0xFFFFFE00, s31  }
0x96: {  	s0 =	ssub.s32 s28, s0  }
0x97: {  	v10 =	vmov s0  }
0x98: {  	v10 =	vshll.u32 v10, $0x3  }
0x99: {  	v10 =	vor.u32 v8, v10;
	v11 =	vand.u32 $0xFFFFFFF8, v9  }
0x9a: {  	v9 =	vand.u32 $0x7, v9;
	v10 =	vadd.s32 v10, v11  }
0x9b: {  	v9 =	vor.u32 v9, v10;
	_ =	sdelay $0x4  }
0x9c: {  	v9 =	vld.idx.msk [tilespmem:v9+s19+$0x0], $0xffff;
	_ =	sdelay $0x5  }
0x9d: {  	vm11 =	veq.f32 v9, v9  }
.Ltmp2:
0x9e: {  	vm11 =	vmand vm11, vm0;
	(pc) =	sbr.rel @p1 .LBB2_6-.Ltmp2, $4  }
0x9f: {  	v9 =	vnsel vm11, $0x0, v9  }
0xa0: {  	v9 =	vtrunc.f32 v9  }
0xa1: {  	v9 =	vcvt.f32.s32 v9  }
0xa2: {  	s30 =	sadd.s32 $0x1, s30;
	s26 =	sadd.s32 $0x10, s26;
	s31 =	sshrl.u32 s29, $0x1  }
0xa3: {  	s0 =	sand.u32 $0x3FFFFFF0, s31;
	[tilespmem:s26+$0x0] =	vst v9  }
0xa4: {  	s29 =	sshll.u32 s29, $0x4;
	v9 =	vld [tilespmem:s0+$0x3410]  }
0xa5: {  	s28 =	sadd.s32 $0x10, s28;
	s0 =	sand.u32 $0xFFFFFE00, s29  }
0xa6: {  	s0 =	ssub.s32 s28, s0  }
0xa7: {  	v10 =	vmov s0  }
0xa8: {  	v10 =	vshll.u32 v10, $0x3  }
0xa9: {  	v10 =	vor.u32 v8, v10;
	v11 =	vand.u32 $0xFFFFFFF8, v9  }
0xaa: {  	v9 =	vand.u32 $0x7, v9;
	v10 =	vadd.s32 v10, v11  }
0xab: {  	v9 =	vor.u32 v9, v10;
	_ =	sdelay $0x4  }
0xac: {  	v9 =	vld.idx.msk [tilespmem:v9+s19+$0x0], $0xffff;
	_ =	sdelay $0x4  }
0xad: {  	vm11 =	veq.f32 v9, v9  }
0xae: {  	vm11 =	vmand vm11, vm0  }
0xaf: {  	v9 =	vnsel vm11, $0x0, v9  }
0xb0: {  	v9 =	vtrunc.f32 v9  }
0xb1: {  	v9 =	vcvt.f32.s32 v9  }
0xb2: {  	s26 =	sadd.s32 $0x10, s26  }
0xb3: {  	s0 =	simm.s32 $0x1600;
	[tilespmem:s26+$0x0] =	vst v9;
	s26 =	simm.s32 $0x2600  }
0xb4: {  	[tilespmem:s26], [sflag:$0x2] =	stream.indirect.gather [hbm4b:s9+s19], $0x1, s0, s19, $0xb8;
	[tilespmem:$0x34A0] =	vst v63  }
0xb5: {  	s26 =	simm.s32 $0x30  }
0xb6: {  	s0 =	sand.u32 $0x3FFFFFF0, s26  }
0xb7: {  	s26 =	simm.s32 $0x600;
	v9 =	vld [tilespmem:s0+$0x3410]  }
0xb8: {  	s26 =	sand.u32 $0xFFFFFE00, s26  }
0xb9: {  	s0 =	ssub.s32 $0x600, s26  }
0xba: {  	v10 =	vmov s0  }
0xbb: {  	v10 =	vshll.u32 v10, $0x3  }
0xbc: {  	v10 =	vor.u32 v8, v10;
	v11 =	vand.u32 $0xFFFFFFF8, v9  }
0xbd: {  	v9 =	vand.u32 $0x7, v9;
	v10 =	vadd.s32 v10, v11  }
0xbe: {  	v9 =	vor.u32 v9, v10;
	_ =	sdelay $0x4  }
0xbf: {  	v9 =	vld.idx.msk [tilespmem:v9+s19+$0x0], $0xffff;
	_ =	sdelay $0x4  }
0xc0: {  	vm11 =	veq.f32 v9, v9  }
0xc1: {  	vm11 =	vmand vm11, vm0  }
0xc2: {  	v9 =	vnsel vm11, $0x0, v9  }
0xc3: {  	v9 =	vtrunc.f32 v9  }
0xc4: {  	s31 =	simm.s32 $0x30;
	s30 =	simm.s32 $0x62;
	v9 =	vcvt.f32.s32 v9  }
0xc5: {  	s29 =	simm.s32 $0x61;
	s28 =	simm.s32 $0x600;
	s26 =	simm.s32 $0x1800  }
.LBB2_8:
0xc6: {  	p1 =	sne.s32 s30, $0x7F;
	s0 =	sand.u32 $0x3FFFFFF0, s31;
	[tilespmem:s26+$0x0] =	vst v9  }
0xc7: {  	s31 =	sshll.u32 s29, $0x4;
	s29 =	smov.u32 s30;
	v9 =	vld [tilespmem:s0+$0x3410]  }
0xc8: {  	s28 =	sadd.s32 $0x10, s28;
	s0 =	sand.u32 $0xFFFFFE00, s31  }
0xc9: {  	s0 =	ssub.s32 s28, s0  }
0xca: {  	v10 =	vmov s0  }
0xcb: {  	v10 =	vshll.u32 v10, $0x3  }
0xcc: {  	v10 =	vor.u32 v8, v10;
	v11 =	vand.u32 $0xFFFFFFF8, v9  }
0xcd: {  	v9 =	vand.u32 $0x7, v9;
	v10 =	vadd.s32 v10, v11  }
0xce: {  	v9 =	vor.u32 v9, v10;
	_ =	sdelay $0x4  }
0xcf: {  	v9 =	vld.idx.msk [tilespmem:v9+s19+$0x0], $0xffff;
	_ =	sdelay $0x5  }
0xd0: {  	vm11 =	veq.f32 v9, v9  }
.Ltmp3:
0xd1: {  	vm11 =	vmand vm11, vm0;
	(pc) =	sbr.rel @p1 .LBB2_8-.Ltmp3, $4  }
0xd2: {  	v9 =	vnsel vm11, $0x0, v9  }
0xd3: {  	v9 =	vtrunc.f32 v9  }
0xd4: {  	v9 =	vcvt.f32.s32 v9  }
0xd5: {  	s30 =	sadd.s32 $0x1, s30;
	s26 =	sadd.s32 $0x10, s26;
	s31 =	sshrl.u32 s29, $0x1  }
0xd6: {  	s0 =	sand.u32 $0x3FFFFFF0, s31;
	[tilespmem:s26+$0x0] =	vst v9  }
0xd7: {  	s29 =	sshll.u32 s29, $0x4;
	v9 =	vld [tilespmem:s0+$0x3410]  }
0xd8: {  	s28 =	sadd.s32 $0x10, s28;
	s0 =	sand.u32 $0xFFFFFE00, s29  }
0xd9: {  	s0 =	ssub.s32 s28, s0  }
0xda: {  	v10 =	vmov s0  }
0xdb: {  	v10 =	vshll.u32 v10, $0x3  }
0xdc: {  	v10 =	vor.u32 v8, v10;
	v11 =	vand.u32 $0xFFFFFFF8, v9  }
0xdd: {  	v9 =	vand.u32 $0x7, v9;
	v10 =	vadd.s32 v10, v11  }
0xde: {  	v9 =	vor.u32 v9, v10;
	_ =	sdelay $0x4  }
0xdf: {  	v9 =	vld.idx.msk [tilespmem:v9+s19+$0x0], $0xffff;
	_ =	sdelay $0x4  }
0xe0: {  	vm11 =	veq.f32 v9, v9  }
0xe1: {  	vm11 =	vmand vm11, vm0  }
0xe2: {  	v9 =	vnsel vm11, $0x0, v9  }
0xe3: {  	v9 =	vtrunc.f32 v9  }
0xe4: {  	v9 =	vcvt.f32.s32 v9  }
0xe5: {  	s26 =	sadd.s32 $0x10, s26  }
0xe6: {  	s0 =	simm.s32 $0x1800;
	[tilespmem:s26+$0x0] =	vst v9;
	s26 =	simm.s32 $0x2800  }
0xe7: {  	[tilespmem:s26], [sflag:$0x2] =	stream.indirect.gather [hbm4b:s10+s19], $0x1, s0, s19, $0xb8;
	[tilespmem:$0x34A0] =	vst v63  }
0xe8: {  	s26 =	simm.s32 $0x40  }
0xe9: {  	s0 =	sand.u32 $0x3FFFFFF0, s26  }
0xea: {  	s26 =	simm.s32 $0x800;
	v9 =	vld [tilespmem:s0+$0x3410]  }
0xeb: {  	s26 =	sand.u32 $0xFFFFFE00, s26  }
0xec: {  	s0 =	ssub.s32 $0x800, s26  }
0xed: {  	v10 =	vmov s0  }
0xee: {  	v10 =	vshll.u32 v10, $0x3  }
0xef: {  	v10 =	vor.u32 v8, v10;
	v11 =	vand.u32 $0xFFFFFFF8, v9  }
0xf0: {  	v9 =	vand.u32 $0x7, v9;
	v10 =	vadd.s32 v10, v11  }
0xf1: {  	v9 =	vor.u32 v9, v10;
	_ =	sdelay $0x4  }
0xf2: {  	v9 =	vld.idx.msk [tilespmem:v9+s19+$0x0], $0xffff;
	_ =	sdelay $0x4  }
0xf3: {  	vm11 =	veq.f32 v9, v9  }
0xf4: {  	vm11 =	vmand vm11, vm0  }
0xf5: {  	v9 =	vnsel vm11, $0x0, v9  }
0xf6: {  	v9 =	vtrunc.f32 v9  }
0xf7: {  	s31 =	simm.s32 $0x40;
	s30 =	simm.s32 $0x82;
	v9 =	vcvt.f32.s32 v9  }
0xf8: {  	s29 =	simm.s32 $0x81;
	s28 =	simm.s32 $0x800;
	s26 =	simm.s32 $0x1A00  }
.LBB2_10:
0xf9: {  	p1 =	sne.s32 s30, $0x9F;
	s0 =	sand.u32 $0x3FFFFFF0, s31;
	[tilespmem:s26+$0x0] =	vst v9  }
0xfa: {  	s31 =	sshll.u32 s29, $0x4;
	s29 =	smov.u32 s30;
	v9 =	vld [tilespmem:s0+$0x3410]  }
0xfb: {  	s28 =	sadd.s32 $0x10, s28;
	s0 =	sand.u32 $0xFFFFFE00, s31  }
0xfc: {  	s0 =	ssub.s32 s28, s0  }
0xfd: {  	v10 =	vmov s0  }
0xfe: {  	v10 =	vshll.u32 v10, $0x3  }
0xff: {  	v10 =	vor.u32 v8, v10;
	v11 =	vand.u32 $0xFFFFFFF8, v9  }
0x100: {  	v9 =	vand.u32 $0x7, v9;
	v10 =	vadd.s32 v10, v11  }
0x101: {  	v9 =	vor.u32 v9, v10;
	_ =	sdelay $0x4  }
0x102: {  	v9 =	vld.idx.msk [tilespmem:v9+s19+$0x0], $0xffff;
	_ =	sdelay $0x5  }
0x103: {  	vm11 =	veq.f32 v9, v9  }
.Ltmp4:
0x104: {  	vm11 =	vmand vm11, vm0;
	(pc) =	sbr.rel @p1 .LBB2_10-.Ltmp4, $4  }
0x105: {  	v9 =	vnsel vm11, $0x0, v9  }
0x106: {  	v9 =	vtrunc.f32 v9  }
0x107: {  	v9 =	vcvt.f32.s32 v9  }
0x108: {  	s30 =	sadd.s32 $0x1, s30;
	s26 =	sadd.s32 $0x10, s26;
	s31 =	sshrl.u32 s29, $0x1  }
0x109: {  	s0 =	sand.u32 $0x3FFFFFF0, s31;
	[tilespmem:s26+$0x0] =	vst v9  }
0x10a: {  	s29 =	sshll.u32 s29, $0x4;
	v9 =	vld [tilespmem:s0+$0x3410]  }
0x10b: {  	s28 =	sadd.s32 $0x10, s28;
	s0 =	sand.u32 $0xFFFFFE00, s29  }
0x10c: {  	s0 =	ssub.s32 s28, s0  }
0x10d: {  	v10 =	vmov s0  }
0x10e: {  	v10 =	vshll.u32 v10, $0x3  }
0x10f: {  	v10 =	vor.u32 v8, v10;
	v11 =	vand.u32 $0xFFFFFFF8, v9  }
0x110: {  	v9 =	vand.u32 $0x7, v9;
	v10 =	vadd.s32 v10, v11  }
0x111: {  	v9 =	vor.u32 v9, v10;
	_ =	sdelay $0x4  }
0x112: {  	v9 =	vld.idx.msk [tilespmem:v9+s19+$0x0], $0xffff;
	_ =	sdelay $0x4  }
0x113: {  	vm11 =	veq.f32 v9, v9  }
0x114: {  	vm11 =	vmand vm11, vm0  }
0x115: {  	v9 =	vnsel vm11, $0x0, v9  }
0x116: {  	v9 =	vtrunc.f32 v9  }
0x117: {  	v9 =	vcvt.f32.s32 v9  }
0x118: {  	s26 =	sadd.s32 $0x10, s26  }
0x119: {  	s0 =	simm.s32 $0x1A00;
	[tilespmem:s26+$0x0] =	vst v9;
	s26 =	simm.s32 $0x2A00  }
0x11a: {  	[tilespmem:s26], [sflag:$0x2] =	stream.indirect.gather [hbm4b:s11+s19], $0x1, s0, s19, $0xb8;
	[tilespmem:$0x34A0] =	vst v63  }
0x11b: {  	s26 =	simm.s32 $0x50  }
0x11c: {  	s0 =	sand.u32 $0x3FFFFFF0, s26  }
0x11d: {  	s26 =	simm.s32 $0xA00;
	v9 =	vld [tilespmem:s0+$0x3410]  }
0x11e: {  	s26 =	sand.u32 $0xFFFFFE00, s26  }
0x11f: {  	s0 =	ssub.s32 $0xA00, s26  }
0x120: {  	v10 =	vmov s0  }
0x121: {  	v10 =	vshll.u32 v10, $0x3  }
0x122: {  	v10 =	vor.u32 v8, v10;
	v11 =	vand.u32 $0xFFFFFFF8, v9  }
0x123: {  	v9 =	vand.u32 $0x7, v9;
	v10 =	vadd.s32 v10, v11  }
0x124: {  	v9 =	vor.u32 v9, v10;
	_ =	sdelay $0x4  }
0x125: {  	v9 =	vld.idx.msk [tilespmem:v9+s19+$0x0], $0xffff;
	_ =	sdelay $0x4  }
0x126: {  	vm11 =	veq.f32 v9, v9  }
0x127: {  	vm11 =	vmand vm11, vm0  }
0x128: {  	v9 =	vnsel vm11, $0x0, v9  }
0x129: {  	v9 =	vtrunc.f32 v9  }
0x12a: {  	s31 =	simm.s32 $0x50;
	s30 =	simm.s32 $0xA2;
	v9 =	vcvt.f32.s32 v9  }
0x12b: {  	s29 =	simm.s32 $0xA1;
	s28 =	simm.s32 $0xA00;
	s26 =	simm.s32 $0x1C00  }
.LBB2_12:
0x12c: {  	p1 =	sne.s32 s30, $0xBF;
	s0 =	sand.u32 $0x3FFFFFF0, s31;
	[tilespmem:s26+$0x0] =	vst v9  }
0x12d: {  	s31 =	sshll.u32 s29, $0x4;
	s29 =	smov.u32 s30;
	v9 =	vld [tilespmem:s0+$0x3410]  }
0x12e: {  	s28 =	sadd.s32 $0x10, s28;
	s0 =	sand.u32 $0xFFFFFE00, s31  }
0x12f: {  	s0 =	ssub.s32 s28, s0  }
0x130: {  	v10 =	vmov s0  }
0x131: {  	v10 =	vshll.u32 v10, $0x3  }
0x132: {  	v10 =	vor.u32 v8, v10;
	v11 =	vand.u32 $0xFFFFFFF8, v9  }
0x133: {  	v9 =	vand.u32 $0x7, v9;
	v10 =	vadd.s32 v10, v11  }
0x134: {  	v9 =	vor.u32 v9, v10;
	_ =	sdelay $0x4  }
0x135: {  	v9 =	vld.idx.msk [tilespmem:v9+s19+$0x0], $0xffff;
	_ =	sdelay $0x5  }
0x136: {  	vm11 =	veq.f32 v9, v9  }
.Ltmp5:
0x137: {  	vm11 =	vmand vm11, vm0;
	(pc) =	sbr.rel @p1 .LBB2_12-.Ltmp5, $4  }
0x138: {  	v9 =	vnsel vm11, $0x0, v9  }
0x139: {  	v9 =	vtrunc.f32 v9  }
0x13a: {  	v9 =	vcvt.f32.s32 v9  }
0x13b: {  	s30 =	sadd.s32 $0x1, s30;
	s26 =	sadd.s32 $0x10, s26;
	s31 =	sshrl.u32 s29, $0x1  }
0x13c: {  	s0 =	sand.u32 $0x3FFFFFF0, s31;
	[tilespmem:s26+$0x0] =	vst v9  }
0x13d: {  	s29 =	sshll.u32 s29, $0x4;
	v9 =	vld [tilespmem:s0+$0x3410]  }
0x13e: {  	s28 =	sadd.s32 $0x10, s28;
	s0 =	sand.u32 $0xFFFFFE00, s29  }
0x13f: {  	s0 =	ssub.s32 s28, s0  }
0x140: {  	v10 =	vmov s0  }
0x141: {  	v10 =	vshll.u32 v10, $0x3  }
0x142: {  	v10 =	vor.u32 v8, v10;
	v11 =	vand.u32 $0xFFFFFFF8, v9  }
0x143: {  	v9 =	vand.u32 $0x7, v9;
	v10 =	vadd.s32 v10, v11  }
0x144: {  	v9 =	vor.u32 v9, v10;
	_ =	sdelay $0x4  }
0x145: {  	v9 =	vld.idx.msk [tilespmem:v9+s19+$0x0], $0xffff;
	_ =	sdelay $0x4  }
0x146: {  	vm11 =	veq.f32 v9, v9  }
0x147: {  	vm11 =	vmand vm11, vm0  }
0x148: {  	v9 =	vnsel vm11, $0x0, v9  }
0x149: {  	v9 =	vtrunc.f32 v9  }
0x14a: {  	v9 =	vcvt.f32.s32 v9  }
0x14b: {  	s26 =	sadd.s32 $0x10, s26  }
0x14c: {  	[tilespmem:s26+$0x0] =	vst v9;
	s26 =	simm.s32 $0x1C00  }
0x14d: {  	[tilespmem:s2], [sflag:$0x2] =	stream.indirect.gather [hbm4b:s12+s19], $0x1, s26, s19, $0xb8;
	[tilespmem:$0x34A0] =	vst v63  }
0x14e: {  	s26 =	simm.s32 $0x60  }
0x14f: {  	s0 =	sand.u32 $0x3FFFFFF0, s26  }
0x150: {  	s26 =	simm.s32 $0xC00;
	v9 =	vld [tilespmem:s0+$0x3410]  }
0x151: {  	s26 =	sand.u32 $0xFFFFFE00, s26  }
0x152: {  	s0 =	ssub.s32 $0xC00, s26  }
0x153: {  	v10 =	vmov s0  }
0x154: {  	v10 =	vshll.u32 v10, $0x3  }
0x155: {  	v10 =	vor.u32 v8, v10;
	v11 =	vand.u32 $0xFFFFFFF8, v9  }
0x156: {  	v9 =	vand.u32 $0x7, v9;
	v10 =	vadd.s32 v10, v11  }
0x157: {  	v9 =	vor.u32 v9, v10;
	_ =	sdelay $0x4  }
0x158: {  	v9 =	vld.idx.msk [tilespmem:v9+s19+$0x0], $0xffff;
	_ =	sdelay $0x4  }
0x159: {  	vm11 =	veq.f32 v9, v9  }
0x15a: {  	vm11 =	vmand vm11, vm0  }
0x15b: {  	v9 =	vnsel vm11, $0x0, v9  }
0x15c: {  	v9 =	vtrunc.f32 v9  }
0x15d: {  	s31 =	simm.s32 $0x60;
	s30 =	simm.s32 $0xC2;
	v9 =	vcvt.f32.s32 v9  }
0x15e: {  	s29 =	simm.s32 $0xC1;
	s28 =	simm.s32 $0xC00;
	s26 =	simm.s32 $0x1E00  }
.LBB2_14:
0x15f: {  	p1 =	sne.s32 s30, $0xDF;
	s0 =	sand.u32 $0x3FFFFFF0, s31;
	[tilespmem:s26+$0x0] =	vst v9  }
0x160: {  	s31 =	sshll.u32 s29, $0x4;
	s29 =	smov.u32 s30;
	v9 =	vld [tilespmem:s0+$0x3410]  }
0x161: {  	s28 =	sadd.s32 $0x10, s28;
	s0 =	sand.u32 $0xFFFFFE00, s31  }
0x162: {  	s0 =	ssub.s32 s28, s0  }
0x163: {  	v10 =	vmov s0  }
0x164: {  	v10 =	vshll.u32 v10, $0x3  }
0x165: {  	v10 =	vor.u32 v8, v10;
	v11 =	vand.u32 $0xFFFFFFF8, v9  }
0x166: {  	v9 =	vand.u32 $0x7, v9;
	v10 =	vadd.s32 v10, v11  }
0x167: {  	v9 =	vor.u32 v9, v10;
	_ =	sdelay $0x4  }
0x168: {  	v9 =	vld.idx.msk [tilespmem:v9+s19+$0x0], $0xffff;
	_ =	sdelay $0x5  }
0x169: {  	vm11 =	veq.f32 v9, v9  }
.Ltmp6:
0x16a: {  	vm11 =	vmand vm11, vm0;
	(pc) =	sbr.rel @p1 .LBB2_14-.Ltmp6, $4  }
0x16b: {  	v9 =	vnsel vm11, $0x0, v9  }
0x16c: {  	v9 =	vtrunc.f32 v9  }
0x16d: {  	v9 =	vcvt.f32.s32 v9  }
0x16e: {  	s30 =	sadd.s32 $0x1, s30;
	s26 =	sadd.s32 $0x10, s26;
	s31 =	sshrl.u32 s29, $0x1  }
0x16f: {  	s0 =	sand.u32 $0x3FFFFFF0, s31;
	[tilespmem:s26+$0x0] =	vst v9  }
0x170: {  	s29 =	sshll.u32 s29, $0x4;
	v9 =	vld [tilespmem:s0+$0x3410]  }
0x171: {  	s28 =	sadd.s32 $0x10, s28;
	s0 =	sand.u32 $0xFFFFFE00, s29  }
0x172: {  	s0 =	ssub.s32 s28, s0  }
0x173: {  	v10 =	vmov s0  }
0x174: {  	v10 =	vshll.u32 v10, $0x3  }
0x175: {  	v10 =	vor.u32 v8, v10;
	v11 =	vand.u32 $0xFFFFFFF8, v9  }
0x176: {  	v9 =	vand.u32 $0x7, v9;
	v10 =	vadd.s32 v10, v11  }
0x177: {  	v9 =	vor.u32 v9, v10;
	_ =	sdelay $0x4  }
0x178: {  	v9 =	vld.idx.msk [tilespmem:v9+s19+$0x0], $0xffff;
	_ =	sdelay $0x4  }
0x179: {  	vm11 =	veq.f32 v9, v9  }
0x17a: {  	vm11 =	vmand vm11, vm0  }
0x17b: {  	v9 =	vnsel vm11, $0x0, v9  }
0x17c: {  	v9 =	vtrunc.f32 v9  }
0x17d: {  	v9 =	vcvt.f32.s32 v9  }
0x17e: {  	s26 =	sadd.s32 $0x10, s26  }
0x17f: {  	[tilespmem:s26+$0x0] =	vst v9;
	s26 =	simm.s32 $0x70  }
0x180: {  	[tilespmem:s3], [sflag:$0x2] =	stream.indirect.gather [hbm4b:s13+s19], $0x1, s1, s19, $0xb8;
	[tilespmem:$0x34A0] =	vst v63  }
0x181: {  	s0 =	sand.u32 $0x3FFFFFF0, s26  }
0x182: {  	s26 =	simm.s32 $0xE00;
	v9 =	vld [tilespmem:s0+$0x3410]  }
0x183: {  	s26 =	sand.u32 $0xFFFFFE00, s26  }
0x184: {  	s0 =	ssub.s32 $0xE00, s26  }
0x185: {  	v10 =	vmov s0  }
0x186: {  	v10 =	vshll.u32 v10, $0x3  }
0x187: {  	v10 =	vor.u32 v8, v10;
	v11 =	vand.u32 $0xFFFFFFF8, v9  }
0x188: {  	v9 =	vand.u32 $0x7, v9;
	v10 =	vadd.s32 v10, v11  }
0x189: {  	v9 =	vor.u32 v9, v10;
	_ =	sdelay $0x4  }
0x18a: {  	v9 =	vld.idx.msk [tilespmem:v9+s19+$0x0], $0xffff;
	_ =	sdelay $0x4  }
0x18b: {  	vm11 =	veq.f32 v9, v9  }
0x18c: {  	vm11 =	vmand vm11, vm0  }
0x18d: {  	v9 =	vnsel vm11, $0x0, v9  }
0x18e: {  	v9 =	vtrunc.f32 v9  }
0x18f: {  	s31 =	simm.s32 $0x70;
	s30 =	simm.s32 $0xE2;
	v9 =	vcvt.f32.s32 v9  }
0x190: {  	s29 =	simm.s32 $0xE1;
	s28 =	simm.s32 $0xE00;
	s26 =	simm.s32 $0x2000  }
.LBB2_16:
0x191: {  	p1 =	sne.s32 s30, $0xFF;
	s0 =	sand.u32 $0x3FFFFFF0, s31;
	[tilespmem:s26+$0x0] =	vst v9  }
0x192: {  	s31 =	sshll.u32 s29, $0x4;
	s29 =	smov.u32 s30;
	v9 =	vld [tilespmem:s0+$0x3410]  }
0x193: {  	s28 =	sadd.s32 $0x10, s28;
	s0 =	sand.u32 $0xFFFFFE00, s31  }
0x194: {  	s0 =	ssub.s32 s28, s0  }
0x195: {  	v10 =	vmov s0  }
0x196: {  	v10 =	vshll.u32 v10, $0x3  }
0x197: {  	v10 =	vor.u32 v8, v10;
	v11 =	vand.u32 $0xFFFFFFF8, v9  }
0x198: {  	v9 =	vand.u32 $0x7, v9;
	v10 =	vadd.s32 v10, v11  }
0x199: {  	v9 =	vor.u32 v9, v10;
	_ =	sdelay $0x4  }
0x19a: {  	v9 =	vld.idx.msk [tilespmem:v9+s19+$0x0], $0xffff;
	_ =	sdelay $0x5  }
0x19b: {  	vm11 =	veq.f32 v9, v9  }
.Ltmp7:
0x19c: {  	vm11 =	vmand vm11, vm0;
	(pc) =	sbr.rel @p1 .LBB2_16-.Ltmp7, $4  }
0x19d: {  	v9 =	vnsel vm11, $0x0, v9  }
0x19e: {  	v9 =	vtrunc.f32 v9  }
0x19f: {  	v9 =	vcvt.f32.s32 v9  }
0x1a0: {  	s30 =	sadd.s32 $0x1, s30;
	s26 =	sadd.s32 $0x10, s26;
	s31 =	sshrl.u32 s29, $0x1  }
0x1a1: {  	s0 =	sand.u32 $0x3FFFFFF0, s31;
	[tilespmem:s26+$0x0] =	vst v9  }
0x1a2: {  	s29 =	sshll.u32 s29, $0x4;
	v9 =	vld [tilespmem:s0+$0x3410]  }
0x1a3: {  	s28 =	sadd.s32 $0x10, s28;
	s31 =	sand.u32 $0xFFFFFE00, s29  }
0x1a4: {  	s0 =	ssub.s32 s28, s31  }
0x1a5: {  	v10 =	vmov s0  }
0x1a6: {  	v10 =	vshll.u32 v10, $0x3  }
0x1a7: {  	v10 =	vor.u32 v8, v10;
	v11 =	vand.u32 $0xFFFFFFF8, v9  }
0x1a8: {  	v9 =	vand.u32 $0x7, v9;
	v10 =	vadd.s32 v10, v11  }
0x1a9: {  	v9 =	vor.u32 v9, v10;
	_ =	sdelay $0x4  }
0x1aa: {  	v9 =	vld.idx.msk [tilespmem:v9+s19+$0x0], $0xffff;
	_ =	sdelay $0x4  }
0x1ab: {  	vm11 =	veq.f32 v9, v9  }
0x1ac: {  	vm11 =	vmand vm11, vm0  }
0x1ad: {  	v9 =	vnsel vm11, $0x0, v9  }
0x1ae: {  	v9 =	vtrunc.f32 v9  }
0x1af: {  	v9 =	vcvt.f32.s32 v9  }
0x1b0: {  	s26 =	sadd.s32 $0x10, s26  }
0x1b1: {  	[tilespmem:s26+$0x0] =	vst v9  }
0x1b2: {  	[tilespmem:s22], [sflag:$0x2] =	stream.indirect.gather [hbm4b:s14+s19], $0x1, s18, s19, $0xb8;
	[tilespmem:$0x34A0] =	vst v63  }
0x1b3: {  	_ =	swait.ge [sflag:s23], $0x200  }
0x1b4: {  	[sflag:s23] =	ssyncset.done $0x0  }
0x1b5: {  	[sflag:s23] =	ssyncadd.s32 $0xFFFFFE00  }
0x1b6: {  	_ =	swait.ge [sflag:s23], $0x200  }
0x1b7: {  	[sflag:s23] =	ssyncset.done $0x0  }
0x1b8: {  	[sflag:s23] =	ssyncadd.s32 $0xFFFFFE00  }
0x1b9: {  	_ =	swait.ge [sflag:s23], $0x200  }
0x1ba: {  	[sflag:s23] =	ssyncset.done $0x0  }
0x1bb: {  	[sflag:s23] =	ssyncadd.s32 $0xFFFFFE00  }
0x1bc: {  	_ =	swait.ge [sflag:s23], $0x200  }
0x1bd: {  	[sflag:s23] =	ssyncset.done $0x0  }
0x1be: {  	[sflag:s23] =	ssyncadd.s32 $0xFFFFFE00  }
0x1bf: {  	_ =	swait.ge [sflag:s23], $0x200  }
0x1c0: {  	[sflag:s23] =	ssyncset.done $0x0  }
0x1c1: {  	[sflag:s23] =	ssyncadd.s32 $0xFFFFFE00  }
0x1c2: {  	_ =	swait.ge [sflag:s23], $0x200  }
0x1c3: {  	[sflag:s23] =	ssyncset.done $0x0  }
0x1c4: {  	[sflag:s23] =	ssyncadd.s32 $0xFFFFFE00  }
0x1c5: {  	_ =	swait.ge [sflag:s23], $0x200  }
0x1c6: {  	[sflag:s23] =	ssyncset.done $0x0  }
0x1c7: {  	[sflag:s23] =	ssyncadd.s32 $0xFFFFFE00  }
0x1c8: {  	_ =	swait.ge [sflag:s23], $0x200  }
0x1c9: {  	[sflag:s23] =	ssyncset.done $0x0  }
0x1ca: {  	[sflag:s23] =	ssyncadd.s32 $0xFFFFFE00  }
0x1cb: {  	v9 =	vld [tilespmem:$0x3400];
	_ =	sdelay $0x4  }
0x1cc: {  	v10 =	vnsel vm1, $0x0, v9  }
0x1cd: {  	(xrf2) =	vadd.scan.msk.f32 $0xffff, v10;
	v10 =	vsel vm2, $0x0, v9  }
0x1ce: {  	(xrf2) =	vadd.scan.msk.f32 $0xffff, v10;
	v10 =	vsel vm3, $0x0, v9  }
0x1cf: {  	(xrf2) =	vadd.scan.msk.f32 $0xffff, v10;
	v10 =	vsel vm4, $0x0, v9  }
0x1d0: {  	(xrf2) =	vadd.scan.msk.f32 $0xffff, v10;
	v10 =	vsel vm5, $0x0, v9  }
0x1d1: {  	(xrf2) =	vadd.scan.msk.f32 $0xffff, v10;
	v10 =	vsel vm6, $0x0, v9  }
0x1d2: {  	(xrf2) =	vadd.scan.msk.f32 $0xffff, v10;
	v10 =	vsel vm7, $0x0, v9  }
0x1d3: {  	(xrf2) =	vadd.scan.msk.f32 $0xffff, v10;
	v10 =	vsel vm8, $0x0, v9  }
0x1d4: {  	(xrf2) =	vadd.scan.msk.f32 $0xffff, v10;
	v10 =	vsel vm9, $0x0, v9  }
0x1d5: {  	s26 =	simm.s32 $0x2A00;
	(xrf2) =	vadd.scan.msk.f32 $0xffff, v10  }
0x1d6: {  	v20 =	vld [tilespmem:s26+$0xFFFFFA00]  }
0x1d7: {  	v22 =	vld [tilespmem:s26+$0xFFFFF800];
	v10, _, _ =	vpop (xrf2)  }
0x1d8: {  	v11, _, _ =	vpop (xrf2)  }
0x1d9: {  	v12, _, _ =	vpop (xrf2)  }
0x1da: {  	v13, _, _ =	vpop (xrf2)  }
0x1db: {  	v20 =	vsub.f32 $0.0e+00, v20;
	v10 =	vadd.f32 $0.0e+00, v10;
	v14, _, _ =	vpop (xrf2)  }
0x1dc: {  	s31 =	simm.s32 $0x0;
	v22 =	vsub.f32 $0.0e+00, v22;
	v15, _, _ =	vpop (xrf2)  }
0x1dd: {  	v27 =	vmov s31;
	v20 =	vmul.f32 $1.442695020e+00, v20;
	v11 =	vadd.f32 $0.0e+00, v11;
	v19, _, _ =	vpop (xrf2)  }
0x1de: {  	v24 =	vld [tilespmem:s26+$0xFFFFFC00];
	v22 =	vmul.f32 $1.442695020e+00, v22;
	v12 =	vadd.f32 $0.0e+00, v12;
	v18 =	vbroadcast v10, $0xF;
	v21, _, _ =	vpop (xrf2)  }
0x1df: {  	v25 =	vld [tilespmem:s26+$0x200];
	v13 =	vadd.f32 $0.0e+00, v13;
	v17 =	vbroadcast v11, $0xF;
	v11 =	vadd.f32 $0.0e+00, v14;
	v10, _, _ =	vpop (xrf2)  }
0x1e0: {  	v26 =	vld [tilespmem:$0x3470];
	v16 =	vbroadcast v12, $0xF;
	v12 =	vadd.f32 $0.0e+00, v15;
	v23 =	vadd.f32 $0.0e+00, v10  }
0x1e1: {  	v15 =	vbroadcast v11, $0xF;
	v11 =	vadd.f32 $0.0e+00, v19;
	v19 =	vadd.f32 $0.0e+00, v21;
	v21 =	vld [tilespmem:s26+$0x0]  }
0x1e2: {  	v28 =	vld [tilespmem:s26+$0x400];
	(erf) = vpow2.f32 v20;
	v14 =	vbroadcast v13, $0xF;
	v23 =	vsub.f32 $1.000000000e+00, v23  }
0x1e3: {  	v24 =	vsub.f32 $0.0e+00, v24;
	v13 =	vbroadcast v12, $0xF;
	v12 =	vbroadcast v11, $0xF  }
0x1e4: {  	v27 =	vshll.u32 v27, $0x3;
	v11 =	vbroadcast v19, $0xF;
	v19 =	vbroadcast v23, $0xF;
	v23 =	vld [tilespmem:s26+$0xFFFFFE00]  }
0x1e5: {  	v25 =	vsub.f32 $0.0e+00, v25;
	v24 =	vmul.f32 $1.442695020e+00, v24;
	v20 =	vld [tilespmem:$0x3410];
	(erf) = vpow2.f32 v22  }
0x1e6: {  	v29 =	vld [tilespmem:$0x3420];
	v22 =	vor.u32 v8, v27;
	v27 =	vand.u32 $0xFFFFFFF8, v26;
	v21 =	vsub.f32 $0.0e+00, v21  }
0x1e7: {  	(erf) = vpow2.f32 v24;
	v24 =	vand.u32 $0x7, v26;
	v26 =	vsub.f32 $0.0e+00, v28  }
0x1e8: {  	v21 =	vmul.f32 $1.442695020e+00, v21  }
0x1e9: {  	v30 =	vld [tilespmem:$0x3430];
	v25 =	vmul.f32 $1.442695020e+00, v25;
	v26 =	vmul.f32 $1.442695020e+00, v26;
	v23 =	vsub.f32 $0.0e+00, v23  }
0x1ea: {  	v28 =	vld [tilespmem:s26+$0x600];
	v31 =	vand.u32 $0xFFFFFFF8, v20;
	v20 =	vand.u32 $0x7, v20;
	(erf) = vpow2.f32 v21  }
0x1eb: {  	v21 =	vand.u32 $0xFFFFFFF8, v29;
	v29 =	vand.u32 $0x7, v29;
	v23 =	vmul.f32 $1.442695020e+00, v23  }
0x1ec: {  	(erf) = vpow2.f32 v25;
	v25 =	vadd.s32 v22, v31;
	v21 =	vadd.s32 v22, v21  }
0x1ed: {  	v25 =	vor.u32 v20, v25;
	(erf) = vpow2.f32 v23;
	v23 =	vadd.s32 v22, v27  }
0x1ee: {  	v21 =	vor.u32 v29, v21;
	v20 =	vor.u32 v24, v23;
	v24 =	vpop (erf);
	(erf) = vpow2.f32 v26  }
0x1ef: {  	v23 =	vld [tilespmem:$0x3450];
	v26 =	vsub.f32 $0.0e+00, v28;
	v28 =	vand.u32 $0xFFFFFFF8, v30;
	v30 =	vand.u32 $0x7, v30  }
0x1f0: {  	v24 =	vadd.f32 $1.000000000e+00, v24;
	v29 =	vpop (erf)  }
0x1f1: {  	v27 =	vld [tilespmem:$0x3440];
	v28 =	vadd.s32 v22, v28;
	v29 =	vadd.f32 $1.000000000e+00, v29  }
0x1f2: {  	v28 =	vor.u32 v30, v28;
	v30 =	vpop (erf);
	(erf) = vrcp.f32 v24  }
0x1f3: {  	v31 =	vld [tilespmem:$0x3460];
	v26 =	vmul.f32 $1.442695020e+00, v26;
	v24 =	vadd.f32 $1.000000000e+00, v30;
	v30 =	vpop (erf);
	(erf) = vrcp.f32 v29  }
0x1f4: {  	v21 =	vld.idx.msk [tilespmem:v21+s19+$0x0], $0xffff;
	v29 =	vadd.f32 $1.000000000e+00, v30;
	v30 =	vand.u32 $0xFFFFFFF8, v23;
	v23 =	vand.u32 $0x7, v23  }
0x1f5: {  	v33 =	vld [tilespmem:$0x3480];
	(erf) = vpow2.f32 v26  }
0x1f6: {  	v25 =	vld.idx.msk [tilespmem:v25+s19+$0x0], $0xffff;
	v32 =	vand.u32 $0xFFFFFFF8, v27;
	v27 =	vand.u32 $0x7, v27;
	v63 =	vpop (erf);
	v30 =	vadd.s32 v22, v30  }
0x1f7: {  	v26 =	vadd.s32 v22, v32;
	(erf) = vrcp.f32 v24;
	v30 =	vor.u32 v23, v30;
	v23 =	vpop (erf)  }
0x1f8: {  	v24 =	vand.u32 $0xFFFFFFF8, v31;
	v27 =	vor.u32 v27, v26;
	v23 =	vadd.f32 $1.000000000e+00, v23  }
0x1f9: {  	v26 =	vand.u32 $0x7, v31;
	vm11 =	veq.f32 v21, v21;
	(erf) = vrcp.f32 v29;
	v31 =	vpop (erf)  }
0x1fa: {  	v24 =	vadd.s32 v22, v24;
	v29 =	vadd.f32 $1.000000000e+00, v31;
	(erf) = vrcp.f32 v23  }
0x1fb: {  	v21 =	vand.u32 $0xFFFFFFF8, v33;
	vm12 =	veq.f32 v25, v25;
	v25 =	vld.idx.msk [tilespmem:v28+s19+$0x0], $0xffff;
	v23 =	vor.u32 v26, v24  }
0x1fc: {  	v32 =	vadd.f32 $1.000000000e+00, v63;
	v22 =	vadd.s32 v22, v21;
	v24 =	vand.u32 $0x7, v33;
	v26 =	vpop (erf)  }
0x1fd: {  	vm11 =	vmand vm11, vm0;
	vm12 =	vmand vm12, vm0;
	v21 =	vld.idx.msk [tilespmem:v30+s19+$0x0], $0xffff;
	v22 =	vor.u32 v24, v22;
	v28 =	vpop (erf)  }
0x1fe: {  	v24 =	vld.idx.msk [tilespmem:v27+s19+$0x0], $0xffff;
	v26 =	vnsel vm11, $0x0, v26;
	(erf) = vrcp.f32 v29;
	v28 =	vnsel vm12, $0x0, v28;
	v29 =	vpop (erf)  }
0x1ff: {  	s30 =	simm.s32 $0x10;
	s29 =	simm.s32 $0x3200;
	s28 =	simm.s32 $0x3200;
	(erf) = vrcp.f32 v32;
	v28 =	vmul.f32 v28, v18;
	v27 =	vadd.f32 $1.000000000e+00, v29  }
.LBB2_18:
0x200: {  	p1 =	sne.s32 s30, $0x1F0;
	vm11 =	veq.f32 v25, v25;
	v23 =	vld.idx.msk [tilespmem:v23+s19+$0x0], $0xffff;
	s29 =	sadd.s32 $0x10, s29;
	s26 =	sadd.s32 $0x10, s26;
	v25 =	vpop (erf)  }
0x201: {  	v26 =	vmul.f32 v26, v17;
	s0 =	smov.u32 s30;
	s30 =	sadd.s32 $0x10, s30;
	v28 =	vadd.f32 v28, v19;
	vm11 =	vmand vm11, vm0;
	v20 =	vld.idx.msk [tilespmem:v20+s19+$0x0], $0xffff  }
0x202: {  	v25 =	vnsel vm11, $0x0, v25;
	vm11 =	veq.f32 v21, v21;
	v21 =	vld.idx.msk [tilespmem:v22+s19+$0x0], $0xffff;
	v22 =	vpop (erf);
	(erf) = vrcp.f32 v27  }
0x203: {  	vm12 =	veq.f32 v24, v24;
	v26 =	vadd.f32 v26, v28;
	vm11 =	vmand vm11, vm0;
	v24 =	vpop (erf)  }
0x204: {  	v25 =	vmul.f32 v25, v16;
	vm12 =	vmand vm12, vm0;
	v22 =	vnsel vm11, $0x0, v22  }
0x205: {  	v24 =	vnsel vm12, $0x0, v24  }
0x206: {  	v25 =	vadd.f32 v25, v26;
	v24 =	vmul.f32 v24, v14;
	vm11 =	veq.f32 v23, v23  }
0x207: {  	v22 =	vmul.f32 v22, v15;
	vm11 =	vmand vm11, vm0;
	vm12 =	veq.f32 v20, v20;
	v20 =	vpop (erf)  }
0x208: {  	v24 =	vadd.f32 v24, v25;
	vm12 =	vmand vm12, vm0;
	vm13 =	veq.f32 v21, v21;
	v21 =	vpop (erf)  }
0x209: {  	v20 =	vnsel vm12, $0x0, v20;
	v21 =	vnsel vm11, $0x0, v21;
	vm11 =	vmand vm13, vm0  }
0x20a: {  	v22 =	vadd.f32 v22, v24;
	v21 =	vmul.f32 v21, v13  }
0x20b: {  	v23 =	vpop (erf)  }
0x20c: {  	v20 =	vmul.f32 v20, v12;
	v21 =	vadd.f32 v21, v22;
	v22 =	vnsel vm11, $0x0, v23;
	_ =	sdelay $0x1  }
0x20d: {  	v20 =	vadd.f32 v20, v21;
	v21 =	vmul.f32 v22, v11;
	_ =	sdelay $0x1  }
0x20e: {  	v20 =	vadd.f32 v21, v20;
	_ =	sdelay $0x1  }
0x20f: {  	v21 =	vmov s0;
	v20 =	vmax.f32 v20, $0.0e+00  }
0x210: {  	v20 =	vmin.f32 v20, $1.000000000e+00  }
0x211: {  	v21 =	vshll.u32 v21, $0x3;
	[tilespmem:s28+$0x0] =	vst v20;
	s28 =	smov.u32 s29  }
0x212: {  	v22 =	vor.u32 v8, v21  }
0x213: {  	v20 =	vld [tilespmem:s26+$0xFFFFFA00]  }
0x214: {  	v21 =	vld [tilespmem:s26+$0xFFFFF800]  }
0x215: {  	v23 =	vld [tilespmem:s26+$0xFFFFFC00]  }
0x216: {  	v24 =	vld [tilespmem:s26+$0x0]  }
0x217: {  	v25 =	vld [tilespmem:s26+$0x200]  }
0x218: {  	v20 =	vsub.f32 $0.0e+00, v20;
	v26 =	vld [tilespmem:$0x3470]  }
0x219: {  	v21 =	vsub.f32 $0.0e+00, v21;
	v27 =	vld [tilespmem:s26+$0x400]  }
0x21a: {  	v20 =	vmul.f32 $1.442695020e+00, v20;
	v23 =	vsub.f32 $0.0e+00, v23;
	v28 =	vld [tilespmem:s26+$0xFFFFFE00]  }
0x21b: {  	v21 =	vmul.f32 $1.442695020e+00, v21;
	v29 =	vld [tilespmem:$0x3420];
	v24 =	vsub.f32 $0.0e+00, v24  }
0x21c: {  	v30 =	vld [tilespmem:$0x3410];
	v23 =	vmul.f32 $1.442695020e+00, v23;
	v25 =	vsub.f32 $0.0e+00, v25;
	(erf) = vpow2.f32 v20  }
0x21d: {  	v20 =	vmul.f32 $1.442695020e+00, v24;
	v24 =	vand.u32 $0xFFFFFFF8, v26;
	(erf) = vpow2.f32 v21  }
0x21e: {  	v21 =	vmul.f32 $1.442695020e+00, v25;
	v25 =	vand.u32 $0x7, v26;
	(erf) = vpow2.f32 v23  }
0x21f: {  	v26 =	vsub.f32 $0.0e+00, v27;
	v23 =	vsub.f32 $0.0e+00, v28;
	v27 =	vld [tilespmem:s26+$0x600];
	(erf) = vpow2.f32 v20  }
0x220: {  	v24 =	vadd.s32 v22, v24;
	v20 =	vand.u32 $0xFFFFFFF8, v29;
	v28 =	vand.u32 $0x7, v29;
	v29 =	vld [tilespmem:$0x3430]  }
0x221: {  	v31 =	vand.u32 $0xFFFFFFF8, v30;
	v20 =	vadd.s32 v22, v20;
	v23 =	vmul.f32 $1.442695020e+00, v23  }
0x222: {  	v30 =	vand.u32 $0x7, v30;
	v31 =	vadd.s32 v22, v31;
	(erf) = vpow2.f32 v21  }
0x223: {  	v26 =	vmul.f32 $1.442695020e+00, v26;
	v21 =	vor.u32 v30, v31;
	(erf) = vpow2.f32 v23  }
0x224: {  	v23 =	vor.u32 v28, v20;
	v20 =	vor.u32 v25, v24;
	v28 =	vld [tilespmem:$0x3440];
	v24 =	vsub.f32 $0.0e+00, v27  }
0x225: {  	v25 =	vand.u32 $0xFFFFFFF8, v29;
	v32 =	vand.u32 $0x7, v29;
	v29 =	vld [tilespmem:$0x3450];
	v30 =	vpop (erf);
	(erf) = vpow2.f32 v26  }
0x226: {  	v33 =	vadd.f32 $1.000000000e+00, v30;
	v25 =	vadd.s32 v22, v25;
	v30 =	vld [tilespmem:$0x3460];
	v24 =	vmul.f32 $1.442695020e+00, v24;
	v31 =	vpop (erf)  }
0x227: {  	v31 =	vadd.f32 $1.000000000e+00, v31;
	v25 =	vor.u32 v32, v25;
	v27 =	vpop (erf)  }
0x228: {  	v27 =	vadd.f32 $1.000000000e+00, v27;
	(erf) = vrcp.f32 v33;
	v26 =	vpop (erf)  }
0x229: {  	v23 =	vld.idx.msk [tilespmem:v23+s19+$0x0], $0xffff;
	v32 =	vand.u32 $0xFFFFFFF8, v28;
	v26 =	vadd.f32 $1.000000000e+00, v26;
	(erf) = vrcp.f32 v31  }
0x22a: {  	v21 =	vld.idx.msk [tilespmem:v21+s19+$0x0], $0xffff;
	v31 =	vadd.s32 v22, v32;
	v32 =	vand.u32 $0xFFFFFFF8, v29;
	(erf) = vpow2.f32 v24  }
0x22b: {  	v24 =	vand.u32 $0x7, v28;
	v28 =	vand.u32 $0x7, v29;
	v29 =	vadd.s32 v22, v32;
	v32 =	vld [tilespmem:$0x3480];
	v33 =	vpop (erf)  }
0x22c: {  	v28 =	vor.u32 v28, v29;
	v29 =	vand.u32 $0xFFFFFFF8, v30;
	(erf) = vrcp.f32 v27;
	v27 =	vpop (erf)  }
0x22d: {  	v24 =	vor.u32 v24, v31;
	v31 =	vadd.f32 $1.000000000e+00, v33;
	v27 =	vadd.f32 $1.000000000e+00, v27  }
0x22e: {  	v30 =	vand.u32 $0x7, v30;
	v29 =	vadd.s32 v22, v29;
	(erf) = vrcp.f32 v26;
	v26 =	vpop (erf)  }
0x22f: {  	vm11 =	veq.f32 v23, v23;
	v25 =	vld.idx.msk [tilespmem:v25+s19+$0x0], $0xffff;
	v33 =	vadd.f32 $1.000000000e+00, v26;
	(erf) = vrcp.f32 v27  }
.Ltmp8:
0x230: {  	v23 =	vor.u32 v30, v29;
	vm11 =	vmand vm11, vm0;
	v29 =	vand.u32 $0xFFFFFFF8, v32;
	(pc) =	sbr.rel @p1 .LBB2_18-.Ltmp8, $4  }
0x231: {  	vm12 =	veq.f32 v21, v21;
	v21 =	vld.idx.msk [tilespmem:v28+s19+$0x0], $0xffff;
	v28 =	vand.u32 $0x7, v32;
	v22 =	vadd.s32 v22, v29;
	v26 =	vpop (erf)  }
0x232: {  	vm12 =	vmand vm12, vm0;
	v26 =	vnsel vm11, $0x0, v26;
	v24 =	vld.idx.msk [tilespmem:v24+s19+$0x0], $0xffff;
	v22 =	vor.u32 v28, v22;
	v27 =	vpop (erf)  }
0x233: {  	v27 =	vnsel vm12, $0x0, v27;
	(erf) = vrcp.f32 v33;
	v29 =	vpop (erf)  }
0x234: {  	v28 =	vmul.f32 v27, v18;
	v27 =	vadd.f32 $1.000000000e+00, v29;
	(erf) = vrcp.f32 v31  }
0x235: {  	_ =	sdelay $0x2  }
0x236: {  	vm11 =	veq.f32 v25, v25  }
0x237: {  	v18 =	vld.idx.msk [tilespmem:v23+s19+$0x0], $0xffff;
	v54 =	vpop (erf);
	v17 =	vmul.f32 v26, v17;
	v19 =	vadd.f32 v28, v19;
	vm11 =	vmand vm11, vm0  }
0x238: {  	(erf) = vrcp.f32 v27;
	v23 =	vnsel vm11, $0x0, v54;
	v55 =	vpop (erf);
	vm11 =	veq.f32 v24, v24  }
0x239: {  	v20 =	vld.idx.msk [tilespmem:v20+s19+$0x0], $0xffff;
	v17 =	vadd.f32 v17, v19;
	v56 =	vpop (erf);
	v16 =	vmul.f32 v23, v16;
	vm11 =	vmand vm11, vm0  }
0x23a: {  	vm12 =	veq.f32 v21, v21;
	v19 =	vnsel vm11, $0x0, v56  }
0x23b: {  	v57 =	vld.idx.msk [tilespmem:v22+s19+$0x0], $0xffff;
	vm11 =	vmand vm12, vm0;
	v16 =	vadd.f32 v16, v17;
	v14 =	vmul.f32 v19, v14  }
0x23c: {  	v58 =	vnsel vm11, $0x0, v55;
	vm11 =	veq.f32 v18, v18;
	v59 =	vpop (erf)  }
0x23d: {  	v15 =	vmul.f32 v58, v15;
	vm11 =	vmand vm11, vm0;
	v14 =	vadd.f32 v14, v16;
	v60 =	vpop (erf)  }
0x23e: {  	vm12 =	veq.f32 v20, v20;
	v16 =	vnsel vm11, $0x0, v60  }
0x23f: {  	vm11 =	vmand vm12, vm0;
	v14 =	vadd.f32 v15, v14;
	v13 =	vmul.f32 v16, v13  }
0x240: {  	vm12 =	veq.f32 v57, v57;
	v61 =	vnsel vm11, $0x0, v59  }
0x241: {  	vm11 =	vmand vm12, vm0;
	v62 =	vpop (erf);
	v12 =	vmul.f32 v61, v12;
	v13 =	vadd.f32 v13, v14  }
0x242: {  	v63 =	vnsel vm11, $0x0, v62  }
0x243: {  	v11 =	vmul.f32 v63, v11;
	v12 =	vadd.f32 v12, v13;
	_ =	sdelay $0x1  }
0x244: {  	v11 =	vadd.f32 v11, v12;
	_ =	sdelay $0x1  }
0x245: {  	v11 =	vmax.f32 v11, $0.0e+00  }
0x246: {  	v12 =	vadd.f32 @!p0 $-1.000000000e+00, v9;
	v11 =	vmin.f32 v11, $1.000000000e+00  }
0x247: {  	[tilespmem:s28+$0x0] =	vst v11  }
0x248: {  	v11 =	vmax.f32 @!p0 v12, $0.0e+00;
	[hbm4b:s15+s4] =	stream.linear.scatter [tilespmem:s24], [sflag:$0x3], $0x200, $0x38;
	[tilespmem:$0x34A0] =	vst v63  }
0x249: {  	v11 =	vnsel @!p0 vm10, $0x0, v11;
	_ =	swait.ge [sflag:s17], $0x200  }
0x24a: {  	v9 =	vnsel @!p0 vm10, $0x0, v9;
	(xrf2) =	vadd.scan.msk.f32 @!p0 $0xffff, v11  }
0x24b: {  	(xrf2) =	vadd.scan.msk.f32 @!p0 $0xffff, v9;
	_ =	sdelay $0x8  }
0x24c: {  	(v2sf) =	vpush @!p0 v10, $0xF;
	v9, _, _ =	vpop @!p0 (xrf2)  }
0x24d: {  	(v2sf) =	vpush @!p0 v9, $0xF;
	v9, _, _ =	vpop @!p0 (xrf2)  }
0x24e: {  	(v2sf) =	vpush @!p0 v9, $0xF;
	_ =	sdelay $0xc  }
0x24f: {  	s0 =	spop @!p0 (v2sf)  }
0x250: {  	s26 =	spop @!p0 (v2sf)  }
0x251: {  	s28 =	spop @!p0 (v2sf)  }
0x252: {  	s0 =	ssub.f32 @!p0 s0, s28;
	_ =	sdelay $0x1  }
0x253: {  	s0 =	smax.f32 @!p0 s0, $0.0e+00  }
0x254: {  	s0 =	sadd.f32 @!p0 s0, s26;
	_ =	sdelay $0x1  }
0x255: {  	v9 =	vmov @!p0 s0  }
0x256: {  	v9 =	vadd.f32 @!p0 $0.0e+00, v9;
	_ =	sdelay $0x1  }
0x257: {  	s25 =	sadd.s32 $0x1, s25;
	[sflag:s17] =	ssyncset.done $0x0;
	v9 =	vbroadcast @!p0 v9, $0x0  }
0x258: {  	p1 =	sne.s32 s25, s16;
	[sflag:s17] =	ssyncadd.s32 $0xFFFFFE00  }
0x259: {  	s28 =	rddreg [dreg:$0x4];
	s26 =	simm.s32 @!p0 $0x3490;
	s0 =	simm.s32 @!p0 $0x0;
	[tilespmem:$0x3490] =	vst @!p0 v9  }
0x25a: {  	[hbm4b:s28+s0] =	stream.linear.scatter @!p0 [tilespmem:s26], [sflag:$0x3], $0x10, $0x38;
	[tilespmem:$0x34A0] =	vst v63  }
.Ltmp9:
0x25b: {  	_ = 	snop;
	(pc) =	sbr.rel @p1 .LBB2_1-.Ltmp9, $4  }
0x25c: {  	s0 =	simm.s32 @!p0 $0x3  }
0x25d: {  	_ =	swait.ge @!p0 [sflag:s0], $0x10  }
0x25e: {  	[sflag:s0] =	ssyncset.done @!p0 $0x0  }
0x25f: {  	[sflag:s0] =	ssyncadd.s32 @!p0 $0xFFFFFFF0  }
0x260: {  	_ =	sfence.sel $0x180000  }
0x261: {  	[bflag:$0x0] =	sbarrier.arrive $0xFFFF  }
0x262: {  	_ =	strace $0x90000047  }
0x263: {  	s0 =	stileid.u32;
	[bflag:$0x2] =	sbarrier.arrive $0xFFFF  }
0x264: {  	p0 =	sne.s32 s0, $0x0;
	s0 =	rddreg [dreg:$0x5]  }
0x265: {  	s0 =	sadd.s32 @!p0 $0x100000, s0  }
0x266: {  	[sflag:s0] =	ssyncadd.tile.s32 @!p0 $0x1;
	_ =	shalt  }
.Lfunc_end2:
_tile_overlayer_lowered:
.L_overlay_start_2:
0x267: {  	(tag) =	ssettag $0x2  }
0x268: {  	s0 =	rddreg [dreg:$0x0];
	s2 =	stileid.u32  }
0x269: {  	s1 =	rddreg [dreg:$0x1];
	p0 =	sne.s32 s2, $0x0  }
0x26a: {  	s3 =	rddreg [dreg:$0x2];
	[bflag:$0x3] =	sbarrier.arrive $0xFFFF;
	s2 =	simm.s32 @!p0 $0x1C03  }
0x26b: {  	[timem:s3], [sflag:s2] =	dma.local @!p0 [hbm:s0], s1  }
0x26c: {  	s0 =	simm.s32 @!p0 $0x3  }
0x26d: {  	_ =	swait.ge @!p0 [sflag:s0], s1  }
0x26e: {  	s1 =	ssub.s32 @!p0 $0x0, s1;
	[sflag:s0] =	ssyncset.done @!p0 $0x0  }
0x26f: {  	[sflag:s0] =	ssyncadd.s32 @!p0 s1  }
0x270: {  	[bflag:$0x3] =	sbarrier.arrive $0xFFFF  }
0x271: {  	_ =	shalt  }

</sc_bundles>
